<compile_context>
chip_gen: v7x
topology: tpu7x:2x2x1
jax: 0.10.2.dev20260603
libtpu: 0.0.44.dev20260713+nightly
codegen_flags: <defaults>
</compile_context>

<pallas_src>
import functools

import jax
import jax.numpy as jnp
from jax import lax
from jax.experimental import pallas as pl
from jax.experimental.pallas import tpu as pltpu
from jax.experimental.pallas import tpu_sc as plsc

B = 4096
T = 50
NSF = 26
NDF = 5
V = 100000
D = 16
NRS = 4
NRD = 8
CS = NSF * D
COUT = CS + NRS + NDF * D + NRD

NW = 32
BPW = B // NW
SCB = 32
SROWS = SCB * CS
NSCH = BPW // SCB

RPW = (T * B) // NW
DCR = 400
DROWS = DCR * NDF
DPAD = 2048
NDCH = RPW // DCR


def _sc_gather(fsc_t, fdc_seg, ws_cols, wd_flat):
    mesh = plsc.VectorSubcoreMesh(core_axis_name="c", subcore_axis_name="s")

    @functools.partial(
        pl.kernel,
        mesh=mesh,
        compiler_params=pltpu.CompilerParams(
            use_tc_tiling_on_sc=False, needs_layout_passes=False),
        out_type=(
            jax.ShapeDtypeStruct((B * CS,), jnp.float32),
            jax.ShapeDtypeStruct((T * B * NDF, D), jnp.float32),
        ),
        scratch_types=[
            pltpu.VMEM((NSF * BPW,), jnp.int32),
            pltpu.VMEM((SROWS // 128, 128), jnp.int32),
            pltpu.VMEM((SROWS,), jnp.float32),
            pltpu.VMEM((NDF * DCR + 48,), jnp.int32),
            pltpu.VMEM((DPAD // 128, 128), jnp.int32),
            pltpu.VMEM((DPAD, D), jnp.float32),
            pltpu.SemaphoreType.DMA,
        ],
    )
    def k(fsc_h, fdc_h, wsc_h, wd_h, outs_h, outd_h,
          sbuf, sidx, sdst, dbuf, didx, ddst, sem):
        w = lax.axis_index("s") * 2 + lax.axis_index("c")
        iota = lax.iota(jnp.int32, 16)
        b0 = w * BPW
        r0 = w * RPW

        hs = [
            pltpu.async_copy(fsc_h.at[pl.ds(i * B + b0, BPW)],
                             sbuf.at[pl.ds(i * BPW, BPW)], sem)
            for i in range(NSF)
        ]
        for h in hs:
            h.wait()

        def s_chunk(ci, carry):
            def comp(q, c2):
                p = q * 16 + iota
                col = p % CS
                bl = ci * SCB + p // CS
                raw = plsc.load_gather(sbuf, [(col // D) * BPW + bl])
                sidx[q // 8, pl.ds((q % 8) * 16, 16)] = col * V + raw
                return c2
            lax.fori_loop(0, SROWS // 16, comp, 0)

            def s_gat(j, c2):
                pltpu.async_copy(wsc_h.at[sidx.at[j]],
                                 sdst.at[pl.ds(j * 128, 128)], sem)
                return c2
            lax.fori_loop(0, SROWS // 128, s_gat, 0)
            pltpu.make_async_copy(wsc_h.at[pl.ds(0, SROWS)], sdst,
                                  sem).wait()
            pltpu.async_copy(
                sdst, outs_h.at[pl.ds((b0 + ci * SCB) * CS, SROWS)],
                sem).wait()
            return carry
        lax.fori_loop(0, NSCH, s_chunk, 0)

        def d_chunk(ci, carry):
            off = ci * DCR
            hseg = [
                pltpu.async_copy(fdc_h.at[f, pl.ds(r0 + off, DCR)],
                                 dbuf.at[pl.ds(f * DCR, DCR)], sem)
                for f in range(NDF)
            ]
            for h in hseg:
                h.wait()

            def comp(q, c2):
                p = q * 16 + iota
                rr = jnp.minimum(p // NDF, DCR - 1)
                f = p % NDF
                raw = plsc.load_gather(dbuf, [f * DCR + rr])
                didx[q // 8, pl.ds((q % 8) * 16, 16)] = f * V + raw
                return c2
            lax.fori_loop(0, DPAD // 16, comp, 0)

            def d_gat(j, c2):
                pltpu.async_copy(wd_h.at[didx.at[j]],
                                 ddst.at[pl.ds(j * 128, 128)], sem)
                return c2
            lax.fori_loop(0, DPAD // 128, d_gat, 0)
            pltpu.make_async_copy(wd_h.at[pl.ds(0, DPAD)], ddst,
                                  sem).wait()
            pltpu.async_copy(
                ddst.at[pl.ds(0, DROWS)],
                outd_h.at[pl.ds((r0 + off) * NDF, DROWS)], sem).wait()
            return carry
        lax.fori_loop(0, NDCH, d_chunk, 0)

    return k(fsc_t, fdc_seg, ws_cols, wd_flat)


TB = 2


def _tc_assemble(stat_emb, stat_real, dyn_emb, dyn_real_nat):
    def body(se_ref, sr_ref, de_ref, dr_ref, o_ref):
        stat = jnp.concatenate([se_ref[...], sr_ref[...]], axis=-1)
        statb = jnp.broadcast_to(stat[None], (TB, B, CS + NRS))
        dr = jnp.transpose(dr_ref[...], (0, 2, 1))
        o_ref[...] = jnp.concatenate(
            [statb, de_ref[...], dr], axis=-1)

    return pl.pallas_call(
        body,
        compiler_params=pltpu.CompilerParams(
            vmem_limit_bytes=100 * 1024 * 1024),
        grid=(T // TB,),
        in_specs=[
            pl.BlockSpec((B, CS), lambda i: (0, 0)),
            pl.BlockSpec((B, NRS), lambda i: (0, 0)),
            pl.BlockSpec((TB, B, NDF * D), lambda i: (i, 0, 0)),
            pl.BlockSpec((TB, NRD, B), lambda i: (i, 0, 0)),
        ],
        out_specs=pl.BlockSpec((TB, B, COUT), lambda i: (i, 0, 0)),
        out_shape=jax.ShapeDtypeStruct((T, B, COUT), jnp.float32),
    )(stat_emb, stat_real, dyn_emb, dyn_real_nat)


def kernel(feat_static_cat, feat_static_real, feat_dynamic_cat,
           feat_dynamic_real, W_static, W_dynamic):
    ws_cols = jnp.transpose(W_static, (0, 2, 1)).reshape(NSF * D * V)
    wd_flat = W_dynamic.reshape(NDF * V, D)
    fsc_t = jnp.transpose(feat_static_cat.astype(jnp.int32),
                          (1, 0)).reshape(NSF * B)
    fdc_seg = jnp.transpose(feat_dynamic_cat.astype(jnp.int32),
                            (2, 1, 0)).reshape(NDF, T * B)
    out_stat, out_dyn = _sc_gather(fsc_t, fdc_seg, ws_cols, wd_flat)
    fdr_nat = jnp.transpose(feat_dynamic_real, (1, 2, 0))
    out_t = _tc_assemble(
        out_stat.reshape(B, CS),
        feat_static_real,
        out_dyn.reshape(T, B, NDF * D),
        fdr_nat,
    )
    return jnp.transpose(out_t, (1, 0, 2))

# --- scband reference (transcript-rebuilt; emitter-appended) ---
"""Pipeline reference for scband-feature-assembler-32323923869735 (READ-ONLY COPY).

The authoritative reference and input builder live on the scoring server;
editing this copy changes nothing except your own understanding.
"""

import jax, jax.numpy as jnp
import numpy as np

B = 4096
T = 50
NS = 26
ND = 5
V = 100000
D = 16


def setup_inputs(seed: int = 0) -> dict:
    key = jax.random.key(seed)
    ks = jax.random.split(key, 6)
    feat_static_cat = jax.random.randint(ks[0], (B, NS), 0, V)
    feat_static_real = jax.random.normal(ks[1], (B, 4), dtype=jnp.float32)
    feat_dynamic_cat = jax.random.randint(ks[2], (B, T, ND), 0, V)
    feat_dynamic_real = jax.random.normal(ks[3], (B, T, 8), dtype=jnp.float32)
    W_static = jax.random.normal(ks[4], (NS, V, D), dtype=jnp.float32) * 0.02
    W_dynamic = jax.random.normal(ks[5], (ND, V, D), dtype=jnp.float32) * 0.02
    return {
        "feat_static_cat": feat_static_cat,
        "feat_static_real": feat_static_real,
        "feat_dynamic_cat": feat_dynamic_cat,
        "feat_dynamic_real": feat_dynamic_real,
        "W_static": W_static,
        "W_dynamic": W_dynamic,
    }


def reference(feat_static_cat, feat_static_real, feat_dynamic_cat, feat_dynamic_real, W_static, W_dynamic):
    t = feat_dynamic_cat.shape[1]
    b = feat_static_cat.shape[0]
    # FeatureEmbedder (static): per-feature embedding lookup, concat along last dim
    static_emb = jnp.concatenate(
        [jnp.take(W_static[i], feat_static_cat[:, i], axis=0) for i in range(W_static.shape[0])],
        axis=-1,
    )
    # process_static_cat: unsqueeze(1).expand(-1, T, -1).float()
    static_emb = jnp.broadcast_to(static_emb[:, None, :], (b, t, static_emb.shape[-1])).astype(jnp.float32)
    # process_static_real: unsqueeze(1).expand(-1, T, -1)
    static_real = jnp.broadcast_to(feat_static_real[:, None, :], (b, t, feat_static_real.shape[-1]))
    # FeatureEmbedder (dynamic): per-feature embedding lookup on [B, T] indices
    dyn_emb = jnp.concatenate(
        [jnp.take(W_dynamic[i], feat_dynamic_cat[:, :, i], axis=0) for i in range(W_dynamic.shape[0])],
        axis=-1,
    )
    # process_dynamic_real: passthrough
    return jnp.concatenate([static_emb, static_real, dyn_emb, feat_dynamic_real], axis=-1)

if __name__ == "__main__":
    import jax
    _d = setup_inputs()
    print(jax.jit(kernel)(*tuple(_d.values())))

</pallas_src>

<mosaic_0001>
#map = affine_map<(d0, d1) -> (0)>
#map1 = affine_map<(d0, d1) -> (0, 0)>
module attributes {stable_mosaic.version = 14 : i64} {
  func.func @k(%arg0: i32, %arg1: i32, %arg2: memref<106496xi32, #tpu.memory_space<hbm>>, %arg3: memref<5x204800xi32, #tpu.memory_space<hbm>>, %arg4: memref<41600000xf32, #tpu.memory_space<hbm>>, %arg5: memref<500000x16xf32, #tpu.memory_space<hbm>>, %arg6: memref<1703936xf32, #tpu.memory_space<hbm>>, %arg7: memref<1024000x16xf32, #tpu.memory_space<hbm>>, %arg8: memref<3328xi32, #tpu.memory_space<vmem>>, %arg9: memref<104x128xi32, #tpu.memory_space<vmem>>, %arg10: memref<13312xf32, #tpu.memory_space<vmem>>, %arg11: memref<2048xi32, #tpu.memory_space<vmem>>, %arg12: memref<16x128xi32, #tpu.memory_space<vmem>>, %arg13: memref<2048x16xf32, #tpu.memory_space<vmem>>, %arg14: memref<!tpu.dma_semaphore, #tpu.memory_space<semaphore_mem>>) attributes {dimension_semantics = [#tpu.dimension_semantics<core_parallel>, #tpu.dimension_semantics<subcore_parallel>], iteration_bounds = array<i64: 2, 16>, scalar_prefetch = 0 : i64, scratch_operands = 7 : i64, tpu.core_type = #tpu.core_type<sc_vector_subcore>, window_params = [{transform_indices = #map}, {transform_indices = #map1}, {transform_indices = #map}, {transform_indices = #map1}, {transform_indices = #map}, {transform_indices = #map1}]} {
    %mul3A = arith.constant 2 : i32
    %mul3A_0 = arith.muli %arg1, %mul3A : i32
    %add3A = arith.addi %mul3A_0, %arg0 : i32
    %iota3A = tpu.iota {dimensions = array<i32: 0>} : vector<16xi32>
    %mul3A_1 = arith.constant 128 : i32
    %mul3A_2 = arith.muli %add3A, %mul3A_1 : i32
    %mul3A_3 = arith.constant 6400 : i32
    %mul3A_4 = arith.muli %add3A, %mul3A_3 : i32
    %add3A_5 = arith.constant 0 : i32
    %add3A_6 = arith.addi %add3A_5, %mul3A_2 : i32
    %dma_start3A = arith.constant 0 : i32
    %dma_start3A_7 = tpu.memref_slice %arg8[%dma_start3A] : memref<3328xi32, #tpu.memory_space<vmem>> -> memref<128xi32, #tpu.memory_space<vmem>>
    %dma_start3A_8 = tpu.memref_slice %arg2[%add3A_6] : memref<106496xi32, #tpu.memory_space<hbm>> -> memref<128xi32, #tpu.memory_space<hbm>>
    %dma_start3A_9 = arith.constant 0 : i32
    %dma_start3A_10 = tpu.memref_slice %arg8[%dma_start3A_9] : memref<3328xi32, #tpu.memory_space<vmem>> -> memref<128xi32, #tpu.memory_space<vmem>>
    %dma_start3A_11 = tpu.memref_slice %arg2[%add3A_6] : memref<106496xi32, #tpu.memory_space<hbm>> -> memref<128xi32, #tpu.memory_space<hbm>>
    tpu.enqueue_dma source(%dma_start3A_11 : memref<128xi32, #tpu.memory_space<hbm>>) target(%dma_start3A_10 : memref<128xi32, #tpu.memory_space<vmem>>) target_semaphore(%arg14 : memref<!tpu.dma_semaphore, #tpu.memory_space<semaphore_mem>>)
    %add3A_12 = arith.constant 4096 : i32
    %add3A_13 = arith.addi %add3A_12, %mul3A_2 : i32
    %dma_start3A_14 = arith.constant 128 : i32
    %dma_start3A_15 = tpu.memref_slice %arg8[%dma_start3A_14] : memref<3328xi32, #tpu.memory_space<vmem>> -> memref<128xi32, #tpu.memory_space<vmem>>
    %dma_start3A_16 = tpu.memref_slice %arg2[%add3A_13] : memref<106496xi32, #tpu.memory_space<hbm>> -> memref<128xi32, #tpu.memory_space<hbm>>
    %dma_start3A_17 = arith.constant 128 : i32
    %dma_start3A_18 = tpu.memref_slice %arg8[%dma_start3A_17] : memref<3328xi32, #tpu.memory_space<vmem>> -> memref<128xi32, #tpu.memory_space<vmem>>
    %dma_start3A_19 = tpu.memref_slice %arg2[%add3A_13] : memref<106496xi32, #tpu.memory_space<hbm>> -> memref<128xi32, #tpu.memory_space<hbm>>
    tpu.enqueue_dma source(%dma_start3A_19 : memref<128xi32, #tpu.memory_space<hbm>>) target(%dma_start3A_18 : memref<128xi32, #tpu.memory_space<vmem>>) target_semaphore(%arg14 : memref<!tpu.dma_semaphore, #tpu.memory_space<semaphore_mem>>)
    %add3A_20 = arith.constant 8192 : i32
    %add3A_21 = arith.addi %add3A_20, %mul3A_2 : i32
    %dma_start3A_22 = arith.constant 256 : i32
    %dma_start3A_23 = tpu.memref_slice %arg8[%dma_start3A_22] : memref<3328xi32, #tpu.memory_space<vmem>> -> memref<128xi32, #tpu.memory_space<vmem>>
    %dma_start3A_24 = tpu.memref_slice %arg2[%add3A_21] : memref<106496xi32, #tpu.memory_space<hbm>> -> memref<128xi32, #tpu.memory_space<hbm>>
    %dma_start3A_25 = arith.constant 256 : i32
    %dma_start3A_26 = tpu.memref_slice %arg8[%dma_start3A_25] : memref<3328xi32, #tpu.memory_space<vmem>> -> memref<128xi32, #tpu.memory_space<vmem>>
    %dma_start3A_27 = tpu.memref_slice %arg2[%add3A_21] : memref<106496xi32, #tpu.memory_space<hbm>> -> memref<128xi32, #tpu.memory_space<hbm>>
    tpu.enqueue_dma source(%dma_start3A_27 : memref<128xi32, #tpu.memory_space<hbm>>) target(%dma_start3A_26 : memref<128xi32, #tpu.memory_space<vmem>>) target_semaphore(%arg14 : memref<!tpu.dma_semaphore, #tpu.memory_space<semaphore_mem>>)
    %add3A_28 = arith.constant 12288 : i32
    %add3A_29 = arith.addi %add3A_28, %mul3A_2 : i32
    %dma_start3A_30 = arith.constant 384 : i32
    %dma_start3A_31 = tpu.memref_slice %arg8[%dma_start3A_30] : memref<3328xi32, #tpu.memory_space<vmem>> -> memref<128xi32, #tpu.memory_space<vmem>>
    %dma_start3A_32 = tpu.memref_slice %arg2[%add3A_29] : memref<106496xi32, #tpu.memory_space<hbm>> -> memref<128xi32, #tpu.memory_space<hbm>>
    %dma_start3A_33 = arith.constant 384 : i32
    %dma_start3A_34 = tpu.memref_slice %arg8[%dma_start3A_33] : memref<3328xi32, #tpu.memory_space<vmem>> -> memref<128xi32, #tpu.memory_space<vmem>>
    %dma_start3A_35 = tpu.memref_slice %arg2[%add3A_29] : memref<106496xi32, #tpu.memory_space<hbm>> -> memref<128xi32, #tpu.memory_space<hbm>>
    tpu.enqueue_dma source(%dma_start3A_35 : memref<128xi32, #tpu.memory_space<hbm>>) target(%dma_start3A_34 : memref<128xi32, #tpu.memory_space<vmem>>) target_semaphore(%arg14 : memref<!tpu.dma_semaphore, #tpu.memory_space<semaphore_mem>>)
    %add3A_36 = arith.constant 16384 : i32
    %add3A_37 = arith.addi %add3A_36, %mul3A_2 : i32
    %dma_start3A_38 = arith.constant 512 : i32
    %dma_start3A_39 = tpu.memref_slice %arg8[%dma_start3A_38] : memref<3328xi32, #tpu.memory_space<vmem>> -> memref<128xi32, #tpu.memory_space<vmem>>
    %dma_start3A_40 = tpu.memref_slice %arg2[%add3A_37] : memref<106496xi32, #tpu.memory_space<hbm>> -> memref<128xi32, #tpu.memory_space<hbm>>
    %dma_start3A_41 = arith.constant 512 : i32
    %dma_start3A_42 = tpu.memref_slice %arg8[%dma_start3A_41] : memref<3328xi32, #tpu.memory_space<vmem>> -> memref<128xi32, #tpu.memory_space<vmem>>
    %dma_start3A_43 = tpu.memref_slice %arg2[%add3A_37] : memref<106496xi32, #tpu.memory_space<hbm>> -> memref<128xi32, #tpu.memory_space<hbm>>
    tpu.enqueue_dma source(%dma_start3A_43 : memref<128xi32, #tpu.memory_space<hbm>>) target(%dma_start3A_42 : memref<128xi32, #tpu.memory_space<vmem>>) target_semaphore(%arg14 : memref<!tpu.dma_semaphore, #tpu.memory_space<semaphore_mem>>)
    %add3A_44 = arith.constant 20480 : i32
    %add3A_45 = arith.addi %add3A_44, %mul3A_2 : i32
    %dma_start3A_46 = arith.constant 640 : i32
    %dma_start3A_47 = tpu.memref_slice %arg8[%dma_start3A_46] : memref<3328xi32, #tpu.memory_space<vmem>> -> memref<128xi32, #tpu.memory_space<vmem>>
    %dma_start3A_48 = tpu.memref_slice %arg2[%add3A_45] : memref<106496xi32, #tpu.memory_space<hbm>> -> memref<128xi32, #tpu.memory_space<hbm>>
    %dma_start3A_49 = arith.constant 640 : i32
    %dma_start3A_50 = tpu.memref_slice %arg8[%dma_start3A_49] : memref<3328xi32, #tpu.memory_space<vmem>> -> memref<128xi32, #tpu.memory_space<vmem>>
    %dma_start3A_51 = tpu.memref_slice %arg2[%add3A_45] : memref<106496xi32, #tpu.memory_space<hbm>> -> memref<128xi32, #tpu.memory_space<hbm>>
    tpu.enqueue_dma source(%dma_start3A_51 : memref<128xi32, #tpu.memory_space<hbm>>) target(%dma_start3A_50 : memref<128xi32, #tpu.memory_space<vmem>>) target_semaphore(%arg14 : memref<!tpu.dma_semaphore, #tpu.memory_space<semaphore_mem>>)
    %add3A_52 = arith.constant 24576 : i32
    %add3A_53 = arith.addi %add3A_52, %mul3A_2 : i32
    %dma_start3A_54 = arith.constant 768 : i32
    %dma_start3A_55 = tpu.memref_slice %arg8[%dma_start3A_54] : memref<3328xi32, #tpu.memory_space<vmem>> -> memref<128xi32, #tpu.memory_space<vmem>>
    %dma_start3A_56 = tpu.memref_slice %arg2[%add3A_53] : memref<106496xi32, #tpu.memory_space<hbm>> -> memref<128xi32, #tpu.memory_space<hbm>>
    %dma_start3A_57 = arith.constant 768 : i32
    %dma_start3A_58 = tpu.memref_slice %arg8[%dma_start3A_57] : memref<3328xi32, #tpu.memory_space<vmem>> -> memref<128xi32, #tpu.memory_space<vmem>>
    %dma_start3A_59 = tpu.memref_slice %arg2[%add3A_53] : memref<106496xi32, #tpu.memory_space<hbm>> -> memref<128xi32, #tpu.memory_space<hbm>>
    tpu.enqueue_dma source(%dma_start3A_59 : memref<128xi32, #tpu.memory_space<hbm>>) target(%dma_start3A_58 : memref<128xi32, #tpu.memory_space<vmem>>) target_semaphore(%arg14 : memref<!tpu.dma_semaphore, #tpu.memory_space<semaphore_mem>>)
    %add3A_60 = arith.constant 28672 : i32
    %add3A_61 = arith.addi %add3A_60, %mul3A_2 : i32
    %dma_start3A_62 = arith.constant 896 : i32
    %dma_start3A_63 = tpu.memref_slice %arg8[%dma_start3A_62] : memref<3328xi32, #tpu.memory_space<vmem>> -> memref<128xi32, #tpu.memory_space<vmem>>
    %dma_start3A_64 = tpu.memref_slice %arg2[%add3A_61] : memref<106496xi32, #tpu.memory_space<hbm>> -> memref<128xi32, #tpu.memory_space<hbm>>
    %dma_start3A_65 = arith.constant 896 : i32
    %dma_start3A_66 = tpu.memref_slice %arg8[%dma_start3A_65] : memref<3328xi32, #tpu.memory_space<vmem>> -> memref<128xi32, #tpu.memory_space<vmem>>
    %dma_start3A_67 = tpu.memref_slice %arg2[%add3A_61] : memref<106496xi32, #tpu.memory_space<hbm>> -> memref<128xi32, #tpu.memory_space<hbm>>
    tpu.enqueue_dma source(%dma_start3A_67 : memref<128xi32, #tpu.memory_space<hbm>>) target(%dma_start3A_66 : memref<128xi32, #tpu.memory_space<vmem>>) target_semaphore(%arg14 : memref<!tpu.dma_semaphore, #tpu.memory_space<semaphore_mem>>)
    %add3A_68 = arith.constant 32768 : i32
    %add3A_69 = arith.addi %add3A_68, %mul3A_2 : i32
    %dma_start3A_70 = arith.constant 1024 : i32
    %dma_start3A_71 = tpu.memref_slice %arg8[%dma_start3A_70] : memref<3328xi32, #tpu.memory_space<vmem>> -> memref<128xi32, #tpu.memory_space<vmem>>
    %dma_start3A_72 = tpu.memref_slice %arg2[%add3A_69] : memref<106496xi32, #tpu.memory_space<hbm>> -> memref<128xi32, #tpu.memory_space<hbm>>
    %dma_start3A_73 = arith.constant 1024 : i32
    %dma_start3A_74 = tpu.memref_slice %arg8[%dma_start3A_73] : memref<3328xi32, #tpu.memory_space<vmem>> -> memref<128xi32, #tpu.memory_space<vmem>>
    %dma_start3A_75 = tpu.memref_slice %arg2[%add3A_69] : memref<106496xi32, #tpu.memory_space<hbm>> -> memref<128xi32, #tpu.memory_space<hbm>>
    tpu.enqueue_dma source(%dma_start3A_75 : memref<128xi32, #tpu.memory_space<hbm>>) target(%dma_start3A_74 : memref<128xi32, #tpu.memory_space<vmem>>) target_semaphore(%arg14 : memref<!tpu.dma_semaphore, #tpu.memory_space<semaphore_mem>>)
    %add3A_76 = arith.constant 36864 : i32
    %add3A_77 = arith.addi %add3A_76, %mul3A_2 : i32
    %dma_start3A_78 = arith.constant 1152 : i32
    %dma_start3A_79 = tpu.memref_slice %arg8[%dma_start3A_78] : memref<3328xi32, #tpu.memory_space<vmem>> -> memref<128xi32, #tpu.memory_space<vmem>>
    %dma_start3A_80 = tpu.memref_slice %arg2[%add3A_77] : memref<106496xi32, #tpu.memory_space<hbm>> -> memref<128xi32, #tpu.memory_space<hbm>>
    %dma_start3A_81 = arith.constant 1152 : i32
    %dma_start3A_82 = tpu.memref_slice %arg8[%dma_start3A_81] : memref<3328xi32, #tpu.memory_space<vmem>> -> memref<128xi32, #tpu.memory_space<vmem>>
    %dma_start3A_83 = tpu.memref_slice %arg2[%add3A_77] : memref<106496xi32, #tpu.memory_space<hbm>> -> memref<128xi32, #tpu.memory_space<hbm>>
    tpu.enqueue_dma source(%dma_start3A_83 : memref<128xi32, #tpu.memory_space<hbm>>) target(%dma_start3A_82 : memref<128xi32, #tpu.memory_space<vmem>>) target_semaphore(%arg14 : memref<!tpu.dma_semaphore, #tpu.memory_space<semaphore_mem>>)
    %add3A_84 = arith.constant 40960 : i32
    %add3A_85 = arith.addi %add3A_84, %mul3A_2 : i32
    %dma_start3A_86 = arith.constant 1280 : i32
    %dma_start3A_87 = tpu.memref_slice %arg8[%dma_start3A_86] : memref<3328xi32, #tpu.memory_space<vmem>> -> memref<128xi32, #tpu.memory_space<vmem>>
    %dma_start3A_88 = tpu.memref_slice %arg2[%add3A_85] : memref<106496xi32, #tpu.memory_space<hbm>> -> memref<128xi32, #tpu.memory_space<hbm>>
    %dma_start3A_89 = arith.constant 1280 : i32
    %dma_start3A_90 = tpu.memref_slice %arg8[%dma_start3A_89] : memref<3328xi32, #tpu.memory_space<vmem>> -> memref<128xi32, #tpu.memory_space<vmem>>
    %dma_start3A_91 = tpu.memref_slice %arg2[%add3A_85] : memref<106496xi32, #tpu.memory_space<hbm>> -> memref<128xi32, #tpu.memory_space<hbm>>
    tpu.enqueue_dma source(%dma_start3A_91 : memref<128xi32, #tpu.memory_space<hbm>>) target(%dma_start3A_90 : memref<128xi32, #tpu.memory_space<vmem>>) target_semaphore(%arg14 : memref<!tpu.dma_semaphore, #tpu.memory_space<semaphore_mem>>)
    %add3A_92 = arith.constant 45056 : i32
    %add3A_93 = arith.addi %add3A_92, %mul3A_2 : i32
    %dma_start3A_94 = arith.constant 1408 : i32
    %dma_start3A_95 = tpu.memref_slice %arg8[%dma_start3A_94] : memref<3328xi32, #tpu.memory_space<vmem>> -> memref<128xi32, #tpu.memory_space<vmem>>
    %dma_start3A_96 = tpu.memref_slice %arg2[%add3A_93] : memref<106496xi32, #tpu.memory_space<hbm>> -> memref<128xi32, #tpu.memory_space<hbm>>
    %dma_start3A_97 = arith.constant 1408 : i32
    %dma_start3A_98 = tpu.memref_slice %arg8[%dma_start3A_97] : memref<3328xi32, #tpu.memory_space<vmem>> -> memref<128xi32, #tpu.memory_space<vmem>>
    %dma_start3A_99 = tpu.memref_slice %arg2[%add3A_93] : memref<106496xi32, #tpu.memory_space<hbm>> -> memref<128xi32, #tpu.memory_space<hbm>>
    tpu.enqueue_dma source(%dma_start3A_99 : memref<128xi32, #tpu.memory_space<hbm>>) target(%dma_start3A_98 : memref<128xi32, #tpu.memory_space<vmem>>) target_semaphore(%arg14 : memref<!tpu.dma_semaphore, #tpu.memory_space<semaphore_mem>>)
    %add3A_100 = arith.constant 49152 : i32
    %add3A_101 = arith.addi %add3A_100, %mul3A_2 : i32
    %dma_start3A_102 = arith.constant 1536 : i32
    %dma_start3A_103 = tpu.memref_slice %arg8[%dma_start3A_102] : memref<3328xi32, #tpu.memory_space<vmem>> -> memref<128xi32, #tpu.memory_space<vmem>>
    %dma_start3A_104 = tpu.memref_slice %arg2[%add3A_101] : memref<106496xi32, #tpu.memory_space<hbm>> -> memref<128xi32, #tpu.memory_space<hbm>>
    %dma_start3A_105 = arith.constant 1536 : i32
    %dma_start3A_106 = tpu.memref_slice %arg8[%dma_start3A_105] : memref<3328xi32, #tpu.memory_space<vmem>> -> memref<128xi32, #tpu.memory_space<vmem>>
    %dma_start3A_107 = tpu.memref_slice %arg2[%add3A_101] : memref<106496xi32, #tpu.memory_space<hbm>> -> memref<128xi32, #tpu.memory_space<hbm>>
    tpu.enqueue_dma source(%dma_start3A_107 : memref<128xi32, #tpu.memory_space<hbm>>) target(%dma_start3A_106 : memref<128xi32, #tpu.memory_space<vmem>>) target_semaphore(%arg14 : memref<!tpu.dma_semaphore, #tpu.memory_space<semaphore_mem>>)
    %add3A_108 = arith.constant 53248 : i32
    %add3A_109 = arith.addi %add3A_108, %mul3A_2 : i32
    %dma_start3A_110 = arith.constant 1664 : i32
    %dma_start3A_111 = tpu.memref_slice %arg8[%dma_start3A_110] : memref<3328xi32, #tpu.memory_space<vmem>> -> memref<128xi32, #tpu.memory_space<vmem>>
    %dma_start3A_112 = tpu.memref_slice %arg2[%add3A_109] : memref<106496xi32, #tpu.memory_space<hbm>> -> memref<128xi32, #tpu.memory_space<hbm>>
    %dma_start3A_113 = arith.constant 1664 : i32
    %dma_start3A_114 = tpu.memref_slice %arg8[%dma_start3A_113] : memref<3328xi32, #tpu.memory_space<vmem>> -> memref<128xi32, #tpu.memory_space<vmem>>
    %dma_start3A_115 = tpu.memref_slice %arg2[%add3A_109] : memref<106496xi32, #tpu.memory_space<hbm>> -> memref<128xi32, #tpu.memory_space<hbm>>
    tpu.enqueue_dma source(%dma_start3A_115 : memref<128xi32, #tpu.memory_space<hbm>>) target(%dma_start3A_114 : memref<128xi32, #tpu.memory_space<vmem>>) target_semaphore(%arg14 : memref<!tpu.dma_semaphore, #tpu.memory_space<semaphore_mem>>)
    %add3A_116 = arith.constant 57344 : i32
    %add3A_117 = arith.addi %add3A_116, %mul3A_2 : i32
    %dma_start3A_118 = arith.constant 1792 : i32
    %dma_start3A_119 = tpu.memref_slice %arg8[%dma_start3A_118] : memref<3328xi32, #tpu.memory_space<vmem>> -> memref<128xi32, #tpu.memory_space<vmem>>
    %dma_start3A_120 = tpu.memref_slice %arg2[%add3A_117] : memref<106496xi32, #tpu.memory_space<hbm>> -> memref<128xi32, #tpu.memory_space<hbm>>
    %dma_start3A_121 = arith.constant 1792 : i32
    %dma_start3A_122 = tpu.memref_slice %arg8[%dma_start3A_121] : memref<3328xi32, #tpu.memory_space<vmem>> -> memref<128xi32, #tpu.memory_space<vmem>>
    %dma_start3A_123 = tpu.memref_slice %arg2[%add3A_117] : memref<106496xi32, #tpu.memory_space<hbm>> -> memref<128xi32, #tpu.memory_space<hbm>>
    tpu.enqueue_dma source(%dma_start3A_123 : memref<128xi32, #tpu.memory_space<hbm>>) target(%dma_start3A_122 : memref<128xi32, #tpu.memory_space<vmem>>) target_semaphore(%arg14 : memref<!tpu.dma_semaphore, #tpu.memory_space<semaphore_mem>>)
    %add3A_124 = arith.constant 61440 : i32
    %add3A_125 = arith.addi %add3A_124, %mul3A_2 : i32
    %dma_start3A_126 = arith.constant 1920 : i32
    %dma_start3A_127 = tpu.memref_slice %arg8[%dma_start3A_126] : memref<3328xi32, #tpu.memory_space<vmem>> -> memref<128xi32, #tpu.memory_space<vmem>>
    %dma_start3A_128 = tpu.memref_slice %arg2[%add3A_125] : memref<106496xi32, #tpu.memory_space<hbm>> -> memref<128xi32, #tpu.memory_space<hbm>>
    %dma_start3A_129 = arith.constant 1920 : i32
    %dma_start3A_130 = tpu.memref_slice %arg8[%dma_start3A_129] : memref<3328xi32, #tpu.memory_space<vmem>> -> memref<128xi32, #tpu.memory_space<vmem>>
    %dma_start3A_131 = tpu.memref_slice %arg2[%add3A_125] : memref<106496xi32, #tpu.memory_space<hbm>> -> memref<128xi32, #tpu.memory_space<hbm>>
    tpu.enqueue_dma source(%dma_start3A_131 : memref<128xi32, #tpu.memory_space<hbm>>) target(%dma_start3A_130 : memref<128xi32, #tpu.memory_space<vmem>>) target_semaphore(%arg14 : memref<!tpu.dma_semaphore, #tpu.memory_space<semaphore_mem>>)
    %add3A_132 = arith.constant 65536 : i32
    %add3A_133 = arith.addi %add3A_132, %mul3A_2 : i32
    %dma_start3A_134 = arith.constant 2048 : i32
    %dma_start3A_135 = tpu.memref_slice %arg8[%dma_start3A_134] : memref<3328xi32, #tpu.memory_space<vmem>> -> memref<128xi32, #tpu.memory_space<vmem>>
    %dma_start3A_136 = tpu.memref_slice %arg2[%add3A_133] : memref<106496xi32, #tpu.memory_space<hbm>> -> memref<128xi32, #tpu.memory_space<hbm>>
    %dma_start3A_137 = arith.constant 2048 : i32
    %dma_start3A_138 = tpu.memref_slice %arg8[%dma_start3A_137] : memref<3328xi32, #tpu.memory_space<vmem>> -> memref<128xi32, #tpu.memory_space<vmem>>
    %dma_start3A_139 = tpu.memref_slice %arg2[%add3A_133] : memref<106496xi32, #tpu.memory_space<hbm>> -> memref<128xi32, #tpu.memory_space<hbm>>
    tpu.enqueue_dma source(%dma_start3A_139 : memref<128xi32, #tpu.memory_space<hbm>>) target(%dma_start3A_138 : memref<128xi32, #tpu.memory_space<vmem>>) target_semaphore(%arg14 : memref<!tpu.dma_semaphore, #tpu.memory_space<semaphore_mem>>)
    %add3A_140 = arith.constant 69632 : i32
    %add3A_141 = arith.addi %add3A_140, %mul3A_2 : i32
    %dma_start3A_142 = arith.constant 2176 : i32
    %dma_start3A_143 = tpu.memref_slice %arg8[%dma_start3A_142] : memref<3328xi32, #tpu.memory_space<vmem>> -> memref<128xi32, #tpu.memory_space<vmem>>
    %dma_start3A_144 = tpu.memref_slice %arg2[%add3A_141] : memref<106496xi32, #tpu.memory_space<hbm>> -> memref<128xi32, #tpu.memory_space<hbm>>
    %dma_start3A_145 = arith.constant 2176 : i32
    %dma_start3A_146 = tpu.memref_slice %arg8[%dma_start3A_145] : memref<3328xi32, #tpu.memory_space<vmem>> -> memref<128xi32, #tpu.memory_space<vmem>>
    %dma_start3A_147 = tpu.memref_slice %arg2[%add3A_141] : memref<106496xi32, #tpu.memory_space<hbm>> -> memref<128xi32, #tpu.memory_space<hbm>>
    tpu.enqueue_dma source(%dma_start3A_147 : memref<128xi32, #tpu.memory_space<hbm>>) target(%dma_start3A_146 : memref<128xi32, #tpu.memory_space<vmem>>) target_semaphore(%arg14 : memref<!tpu.dma_semaphore, #tpu.memory_space<semaphore_mem>>)
    %add3A_148 = arith.constant 73728 : i32
    %add3A_149 = arith.addi %add3A_148, %mul3A_2 : i32
    %dma_start3A_150 = arith.constant 2304 : i32
    %dma_start3A_151 = tpu.memref_slice %arg8[%dma_start3A_150] : memref<3328xi32, #tpu.memory_space<vmem>> -> memref<128xi32, #tpu.memory_space<vmem>>
    %dma_start3A_152 = tpu.memref_slice %arg2[%add3A_149] : memref<106496xi32, #tpu.memory_space<hbm>> -> memref<128xi32, #tpu.memory_space<hbm>>
    %dma_start3A_153 = arith.constant 2304 : i32
    %dma_start3A_154 = tpu.memref_slice %arg8[%dma_start3A_153] : memref<3328xi32, #tpu.memory_space<vmem>> -> memref<128xi32, #tpu.memory_space<vmem>>
    %dma_start3A_155 = tpu.memref_slice %arg2[%add3A_149] : memref<106496xi32, #tpu.memory_space<hbm>> -> memref<128xi32, #tpu.memory_space<hbm>>
    tpu.enqueue_dma source(%dma_start3A_155 : memref<128xi32, #tpu.memory_space<hbm>>) target(%dma_start3A_154 : memref<128xi32, #tpu.memory_space<vmem>>) target_semaphore(%arg14 : memref<!tpu.dma_semaphore, #tpu.memory_space<semaphore_mem>>)
    %add3A_156 = arith.constant 77824 : i32
    %add3A_157 = arith.addi %add3A_156, %mul3A_2 : i32
    %dma_start3A_158 = arith.constant 2432 : i32
    %dma_start3A_159 = tpu.memref_slice %arg8[%dma_start3A_158] : memref<3328xi32, #tpu.memory_space<vmem>> -> memref<128xi32, #tpu.memory_space<vmem>>
    %dma_start3A_160 = tpu.memref_slice %arg2[%add3A_157] : memref<106496xi32, #tpu.memory_space<hbm>> -> memref<128xi32, #tpu.memory_space<hbm>>
    %dma_start3A_161 = arith.constant 2432 : i32
    %dma_start3A_162 = tpu.memref_slice %arg8[%dma_start3A_161] : memref<3328xi32, #tpu.memory_space<vmem>> -> memref<128xi32, #tpu.memory_space<vmem>>
    %dma_start3A_163 = tpu.memref_slice %arg2[%add3A_157] : memref<106496xi32, #tpu.memory_space<hbm>> -> memref<128xi32, #tpu.memory_space<hbm>>
    tpu.enqueue_dma source(%dma_start3A_163 : memref<128xi32, #tpu.memory_space<hbm>>) target(%dma_start3A_162 : memref<128xi32, #tpu.memory_space<vmem>>) target_semaphore(%arg14 : memref<!tpu.dma_semaphore, #tpu.memory_space<semaphore_mem>>)
    %add3A_164 = arith.constant 81920 : i32
    %add3A_165 = arith.addi %add3A_164, %mul3A_2 : i32
    %dma_start3A_166 = arith.constant 2560 : i32
    %dma_start3A_167 = tpu.memref_slice %arg8[%dma_start3A_166] : memref<3328xi32, #tpu.memory_space<vmem>> -> memref<128xi32, #tpu.memory_space<vmem>>
    %dma_start3A_168 = tpu.memref_slice %arg2[%add3A_165] : memref<106496xi32, #tpu.memory_space<hbm>> -> memref<128xi32, #tpu.memory_space<hbm>>
    %dma_start3A_169 = arith.constant 2560 : i32
    %dma_start3A_170 = tpu.memref_slice %arg8[%dma_start3A_169] : memref<3328xi32, #tpu.memory_space<vmem>> -> memref<128xi32, #tpu.memory_space<vmem>>
    %dma_start3A_171 = tpu.memref_slice %arg2[%add3A_165] : memref<106496xi32, #tpu.memory_space<hbm>> -> memref<128xi32, #tpu.memory_space<hbm>>
    tpu.enqueue_dma source(%dma_start3A_171 : memref<128xi32, #tpu.memory_space<hbm>>) target(%dma_start3A_170 : memref<128xi32, #tpu.memory_space<vmem>>) target_semaphore(%arg14 : memref<!tpu.dma_semaphore, #tpu.memory_space<semaphore_mem>>)
    %add3A_172 = arith.constant 86016 : i32
    %add3A_173 = arith.addi %add3A_172, %mul3A_2 : i32
    %dma_start3A_174 = arith.constant 2688 : i32
    %dma_start3A_175 = tpu.memref_slice %arg8[%dma_start3A_174] : memref<3328xi32, #tpu.memory_space<vmem>> -> memref<128xi32, #tpu.memory_space<vmem>>
    %dma_start3A_176 = tpu.memref_slice %arg2[%add3A_173] : memref<106496xi32, #tpu.memory_space<hbm>> -> memref<128xi32, #tpu.memory_space<hbm>>
    %dma_start3A_177 = arith.constant 2688 : i32
    %dma_start3A_178 = tpu.memref_slice %arg8[%dma_start3A_177] : memref<3328xi32, #tpu.memory_space<vmem>> -> memref<128xi32, #tpu.memory_space<vmem>>
    %dma_start3A_179 = tpu.memref_slice %arg2[%add3A_173] : memref<106496xi32, #tpu.memory_space<hbm>> -> memref<128xi32, #tpu.memory_space<hbm>>
    tpu.enqueue_dma source(%dma_start3A_179 : memref<128xi32, #tpu.memory_space<hbm>>) target(%dma_start3A_178 : memref<128xi32, #tpu.memory_space<vmem>>) target_semaphore(%arg14 : memref<!tpu.dma_semaphore, #tpu.memory_space<semaphore_mem>>)
    %add3A_180 = arith.constant 90112 : i32
    %add3A_181 = arith.addi %add3A_180, %mul3A_2 : i32
    %dma_start3A_182 = arith.constant 2816 : i32
    %dma_start3A_183 = tpu.memref_slice %arg8[%dma_start3A_182] : memref<3328xi32, #tpu.memory_space<vmem>> -> memref<128xi32, #tpu.memory_space<vmem>>
    %dma_start3A_184 = tpu.memref_slice %arg2[%add3A_181] : memref<106496xi32, #tpu.memory_space<hbm>> -> memref<128xi32, #tpu.memory_space<hbm>>
    %dma_start3A_185 = arith.constant 2816 : i32
    %dma_start3A_186 = tpu.memref_slice %arg8[%dma_start3A_185] : memref<3328xi32, #tpu.memory_space<vmem>> -> memref<128xi32, #tpu.memory_space<vmem>>
    %dma_start3A_187 = tpu.memref_slice %arg2[%add3A_181] : memref<106496xi32, #tpu.memory_space<hbm>> -> memref<128xi32, #tpu.memory_space<hbm>>
    tpu.enqueue_dma source(%dma_start3A_187 : memref<128xi32, #tpu.memory_space<hbm>>) target(%dma_start3A_186 : memref<128xi32, #tpu.memory_space<vmem>>) target_semaphore(%arg14 : memref<!tpu.dma_semaphore, #tpu.memory_space<semaphore_mem>>)
    %add3A_188 = arith.constant 94208 : i32
    %add3A_189 = arith.addi %add3A_188, %mul3A_2 : i32
    %dma_start3A_190 = arith.constant 2944 : i32
    %dma_start3A_191 = tpu.memref_slice %arg8[%dma_start3A_190] : memref<3328xi32, #tpu.memory_space<vmem>> -> memref<128xi32, #tpu.memory_space<vmem>>
    %dma_start3A_192 = tpu.memref_slice %arg2[%add3A_189] : memref<106496xi32, #tpu.memory_space<hbm>> -> memref<128xi32, #tpu.memory_space<hbm>>
    %dma_start3A_193 = arith.constant 2944 : i32
    %dma_start3A_194 = tpu.memref_slice %arg8[%dma_start3A_193] : memref<3328xi32, #tpu.memory_space<vmem>> -> memref<128xi32, #tpu.memory_space<vmem>>
    %dma_start3A_195 = tpu.memref_slice %arg2[%add3A_189] : memref<106496xi32, #tpu.memory_space<hbm>> -> memref<128xi32, #tpu.memory_space<hbm>>
    tpu.enqueue_dma source(%dma_start3A_195 : memref<128xi32, #tpu.memory_space<hbm>>) target(%dma_start3A_194 : memref<128xi32, #tpu.memory_space<vmem>>) target_semaphore(%arg14 : memref<!tpu.dma_semaphore, #tpu.memory_space<semaphore_mem>>)
    %add3A_196 = arith.constant 98304 : i32
    %add3A_197 = arith.addi %add3A_196, %mul3A_2 : i32
    %dma_start3A_198 = arith.constant 3072 : i32
    %dma_start3A_199 = tpu.memref_slice %arg8[%dma_start3A_198] : memref<3328xi32, #tpu.memory_space<vmem>> -> memref<128xi32, #tpu.memory_space<vmem>>
    %dma_start3A_200 = tpu.memref_slice %arg2[%add3A_197] : memref<106496xi32, #tpu.memory_space<hbm>> -> memref<128xi32, #tpu.memory_space<hbm>>
    %dma_start3A_201 = arith.constant 3072 : i32
    %dma_start3A_202 = tpu.memref_slice %arg8[%dma_start3A_201] : memref<3328xi32, #tpu.memory_space<vmem>> -> memref<128xi32, #tpu.memory_space<vmem>>
    %dma_start3A_203 = tpu.memref_slice %arg2[%add3A_197] : memref<106496xi32, #tpu.memory_space<hbm>> -> memref<128xi32, #tpu.memory_space<hbm>>
    tpu.enqueue_dma source(%dma_start3A_203 : memref<128xi32, #tpu.memory_space<hbm>>) target(%dma_start3A_202 : memref<128xi32, #tpu.memory_space<vmem>>) target_semaphore(%arg14 : memref<!tpu.dma_semaphore, #tpu.memory_space<semaphore_mem>>)
    %add3A_204 = arith.constant 102400 : i32
    %add3A_205 = arith.addi %add3A_204, %mul3A_2 : i32
    %dma_start3A_206 = arith.constant 3200 : i32
    %dma_start3A_207 = tpu.memref_slice %arg8[%dma_start3A_206] : memref<3328xi32, #tpu.memory_space<vmem>> -> memref<128xi32, #tpu.memory_space<vmem>>
    %dma_start3A_208 = tpu.memref_slice %arg2[%add3A_205] : memref<106496xi32, #tpu.memory_space<hbm>> -> memref<128xi32, #tpu.memory_space<hbm>>
    %dma_start3A_209 = arith.constant 3200 : i32
    %dma_start3A_210 = tpu.memref_slice %arg8[%dma_start3A_209] : memref<3328xi32, #tpu.memory_space<vmem>> -> memref<128xi32, #tpu.memory_space<vmem>>
    %dma_start3A_211 = tpu.memref_slice %arg2[%add3A_205] : memref<106496xi32, #tpu.memory_space<hbm>> -> memref<128xi32, #tpu.memory_space<hbm>>
    tpu.enqueue_dma source(%dma_start3A_211 : memref<128xi32, #tpu.memory_space<hbm>>) target(%dma_start3A_210 : memref<128xi32, #tpu.memory_space<vmem>>) target_semaphore(%arg14 : memref<!tpu.dma_semaphore, #tpu.memory_space<semaphore_mem>>)
    %dma_wait3A = arith.constant 0 : i32
    %dma_wait3A_212 = tpu.memref_slice %arg8[%dma_wait3A] : memref<3328xi32, #tpu.memory_space<vmem>> -> memref<128xi32, #tpu.memory_space<vmem>>
    %dma_wait3A_213 = tpu.memref_slice %arg2[%add3A_6] : memref<106496xi32, #tpu.memory_space<hbm>> -> memref<128xi32, #tpu.memory_space<hbm>>
    %dma_wait3A_214 = arith.constant 0 : i32
    %dma_wait3A_215 = tpu.memref_slice %arg8[%dma_wait3A_214] : memref<3328xi32, #tpu.memory_space<vmem>> -> memref<128xi32, #tpu.memory_space<vmem>>
    %dma_wait3A_216 = tpu.memref_slice %arg2[%add3A_6] : memref<106496xi32, #tpu.memory_space<hbm>> -> memref<128xi32, #tpu.memory_space<hbm>>
    tpu.wait_dma2 semaphore(%arg14 : memref<!tpu.dma_semaphore, #tpu.memory_space<semaphore_mem>>) src(%dma_wait3A_216 : memref<128xi32, #tpu.memory_space<hbm>>) dst(%dma_wait3A_215 : memref<128xi32, #tpu.memory_space<vmem>>)
    %dma_wait3A_217 = arith.constant 128 : i32
    %dma_wait3A_218 = tpu.memref_slice %arg8[%dma_wait3A_217] : memref<3328xi32, #tpu.memory_space<vmem>> -> memref<128xi32, #tpu.memory_space<vmem>>
    %dma_wait3A_219 = tpu.memref_slice %arg2[%add3A_13] : memref<106496xi32, #tpu.memory_space<hbm>> -> memref<128xi32, #tpu.memory_space<hbm>>
    %dma_wait3A_220 = arith.constant 128 : i32
    %dma_wait3A_221 = tpu.memref_slice %arg8[%dma_wait3A_220] : memref<3328xi32, #tpu.memory_space<vmem>> -> memref<128xi32, #tpu.memory_space<vmem>>
    %dma_wait3A_222 = tpu.memref_slice %arg2[%add3A_13] : memref<106496xi32, #tpu.memory_space<hbm>> -> memref<128xi32, #tpu.memory_space<hbm>>
    tpu.wait_dma2 semaphore(%arg14 : memref<!tpu.dma_semaphore, #tpu.memory_space<semaphore_mem>>) src(%dma_wait3A_222 : memref<128xi32, #tpu.memory_space<hbm>>) dst(%dma_wait3A_221 : memref<128xi32, #tpu.memory_space<vmem>>)
    %dma_wait3A_223 = arith.constant 256 : i32
    %dma_wait3A_224 = tpu.memref_slice %arg8[%dma_wait3A_223] : memref<3328xi32, #tpu.memory_space<vmem>> -> memref<128xi32, #tpu.memory_space<vmem>>
    %dma_wait3A_225 = tpu.memref_slice %arg2[%add3A_21] : memref<106496xi32, #tpu.memory_space<hbm>> -> memref<128xi32, #tpu.memory_space<hbm>>
    %dma_wait3A_226 = arith.constant 256 : i32
    %dma_wait3A_227 = tpu.memref_slice %arg8[%dma_wait3A_226] : memref<3328xi32, #tpu.memory_space<vmem>> -> memref<128xi32, #tpu.memory_space<vmem>>
    %dma_wait3A_228 = tpu.memref_slice %arg2[%add3A_21] : memref<106496xi32, #tpu.memory_space<hbm>> -> memref<128xi32, #tpu.memory_space<hbm>>
    tpu.wait_dma2 semaphore(%arg14 : memref<!tpu.dma_semaphore, #tpu.memory_space<semaphore_mem>>) src(%dma_wait3A_228 : memref<128xi32, #tpu.memory_space<hbm>>) dst(%dma_wait3A_227 : memref<128xi32, #tpu.memory_space<vmem>>)
    %dma_wait3A_229 = arith.constant 384 : i32
    %dma_wait3A_230 = tpu.memref_slice %arg8[%dma_wait3A_229] : memref<3328xi32, #tpu.memory_space<vmem>> -> memref<128xi32, #tpu.memory_space<vmem>>
    %dma_wait3A_231 = tpu.memref_slice %arg2[%add3A_29] : memref<106496xi32, #tpu.memory_space<hbm>> -> memref<128xi32, #tpu.memory_space<hbm>>
    %dma_wait3A_232 = arith.constant 384 : i32
    %dma_wait3A_233 = tpu.memref_slice %arg8[%dma_wait3A_232] : memref<3328xi32, #tpu.memory_space<vmem>> -> memref<128xi32, #tpu.memory_space<vmem>>
    %dma_wait3A_234 = tpu.memref_slice %arg2[%add3A_29] : memref<106496xi32, #tpu.memory_space<hbm>> -> memref<128xi32, #tpu.memory_space<hbm>>
    tpu.wait_dma2 semaphore(%arg14 : memref<!tpu.dma_semaphore, #tpu.memory_space<semaphore_mem>>) src(%dma_wait3A_234 : memref<128xi32, #tpu.memory_space<hbm>>) dst(%dma_wait3A_233 : memref<128xi32, #tpu.memory_space<vmem>>)
    %dma_wait3A_235 = arith.constant 512 : i32
    %dma_wait3A_236 = tpu.memref_slice %arg8[%dma_wait3A_235] : memref<3328xi32, #tpu.memory_space<vmem>> -> memref<128xi32, #tpu.memory_space<vmem>>
    %dma_wait3A_237 = tpu.memref_slice %arg2[%add3A_37] : memref<106496xi32, #tpu.memory_space<hbm>> -> memref<128xi32, #tpu.memory_space<hbm>>
    %dma_wait3A_238 = arith.constant 512 : i32
    %dma_wait3A_239 = tpu.memref_slice %arg8[%dma_wait3A_238] : memref<3328xi32, #tpu.memory_space<vmem>> -> memref<128xi32, #tpu.memory_space<vmem>>
    %dma_wait3A_240 = tpu.memref_slice %arg2[%add3A_37] : memref<106496xi32, #tpu.memory_space<hbm>> -> memref<128xi32, #tpu.memory_space<hbm>>
    tpu.wait_dma2 semaphore(%arg14 : memref<!tpu.dma_semaphore, #tpu.memory_space<semaphore_mem>>) src(%dma_wait3A_240 : memref<128xi32, #tpu.memory_space<hbm>>) dst(%dma_wait3A_239 : memref<128xi32, #tpu.memory_space<vmem>>)
    %dma_wait3A_241 = arith.constant 640 : i32
    %dma_wait3A_242 = tpu.memref_slice %arg8[%dma_wait3A_241] : memref<3328xi32, #tpu.memory_space<vmem>> -> memref<128xi32, #tpu.memory_space<vmem>>
    %dma_wait3A_243 = tpu.memref_slice %arg2[%add3A_45] : memref<106496xi32, #tpu.memory_space<hbm>> -> memref<128xi32, #tpu.memory_space<hbm>>
    %dma_wait3A_244 = arith.constant 640 : i32
    %dma_wait3A_245 = tpu.memref_slice %arg8[%dma_wait3A_244] : memref<3328xi32, #tpu.memory_space<vmem>> -> memref<128xi32, #tpu.memory_space<vmem>>
    %dma_wait3A_246 = tpu.memref_slice %arg2[%add3A_45] : memref<106496xi32, #tpu.memory_space<hbm>> -> memref<128xi32, #tpu.memory_space<hbm>>
    tpu.wait_dma2 semaphore(%arg14 : memref<!tpu.dma_semaphore, #tpu.memory_space<semaphore_mem>>) src(%dma_wait3A_246 : memref<128xi32, #tpu.memory_space<hbm>>) dst(%dma_wait3A_245 : memref<128xi32, #tpu.memory_space<vmem>>)
    %dma_wait3A_247 = arith.constant 768 : i32
    %dma_wait3A_248 = tpu.memref_slice %arg8[%dma_wait3A_247] : memref<3328xi32, #tpu.memory_space<vmem>> -> memref<128xi32, #tpu.memory_space<vmem>>
    %dma_wait3A_249 = tpu.memref_slice %arg2[%add3A_53] : memref<106496xi32, #tpu.memory_space<hbm>> -> memref<128xi32, #tpu.memory_space<hbm>>
    %dma_wait3A_250 = arith.constant 768 : i32
    %dma_wait3A_251 = tpu.memref_slice %arg8[%dma_wait3A_250] : memref<3328xi32, #tpu.memory_space<vmem>> -> memref<128xi32, #tpu.memory_space<vmem>>
    %dma_wait3A_252 = tpu.memref_slice %arg2[%add3A_53] : memref<106496xi32, #tpu.memory_space<hbm>> -> memref<128xi32, #tpu.memory_space<hbm>>
    tpu.wait_dma2 semaphore(%arg14 : memref<!tpu.dma_semaphore, #tpu.memory_space<semaphore_mem>>) src(%dma_wait3A_252 : memref<128xi32, #tpu.memory_space<hbm>>) dst(%dma_wait3A_251 : memref<128xi32, #tpu.memory_space<vmem>>)
    %dma_wait3A_253 = arith.constant 896 : i32
    %dma_wait3A_254 = tpu.memref_slice %arg8[%dma_wait3A_253] : memref<3328xi32, #tpu.memory_space<vmem>> -> memref<128xi32, #tpu.memory_space<vmem>>
    %dma_wait3A_255 = tpu.memref_slice %arg2[%add3A_61] : memref<106496xi32, #tpu.memory_space<hbm>> -> memref<128xi32, #tpu.memory_space<hbm>>
    %dma_wait3A_256 = arith.constant 896 : i32
    %dma_wait3A_257 = tpu.memref_slice %arg8[%dma_wait3A_256] : memref<3328xi32, #tpu.memory_space<vmem>> -> memref<128xi32, #tpu.memory_space<vmem>>
    %dma_wait3A_258 = tpu.memref_slice %arg2[%add3A_61] : memref<106496xi32, #tpu.memory_space<hbm>> -> memref<128xi32, #tpu.memory_space<hbm>>
    tpu.wait_dma2 semaphore(%arg14 : memref<!tpu.dma_semaphore, #tpu.memory_space<semaphore_mem>>) src(%dma_wait3A_258 : memref<128xi32, #tpu.memory_space<hbm>>) dst(%dma_wait3A_257 : memref<128xi32, #tpu.memory_space<vmem>>)
    %dma_wait3A_259 = arith.constant 1024 : i32
    %dma_wait3A_260 = tpu.memref_slice %arg8[%dma_wait3A_259] : memref<3328xi32, #tpu.memory_space<vmem>> -> memref<128xi32, #tpu.memory_space<vmem>>
    %dma_wait3A_261 = tpu.memref_slice %arg2[%add3A_69] : memref<106496xi32, #tpu.memory_space<hbm>> -> memref<128xi32, #tpu.memory_space<hbm>>
    %dma_wait3A_262 = arith.constant 1024 : i32
    %dma_wait3A_263 = tpu.memref_slice %arg8[%dma_wait3A_262] : memref<3328xi32, #tpu.memory_space<vmem>> -> memref<128xi32, #tpu.memory_space<vmem>>
    %dma_wait3A_264 = tpu.memref_slice %arg2[%add3A_69] : memref<106496xi32, #tpu.memory_space<hbm>> -> memref<128xi32, #tpu.memory_space<hbm>>
    tpu.wait_dma2 semaphore(%arg14 : memref<!tpu.dma_semaphore, #tpu.memory_space<semaphore_mem>>) src(%dma_wait3A_264 : memref<128xi32, #tpu.memory_space<hbm>>) dst(%dma_wait3A_263 : memref<128xi32, #tpu.memory_space<vmem>>)
    %dma_wait3A_265 = arith.constant 1152 : i32
    %dma_wait3A_266 = tpu.memref_slice %arg8[%dma_wait3A_265] : memref<3328xi32, #tpu.memory_space<vmem>> -> memref<128xi32, #tpu.memory_space<vmem>>
    %dma_wait3A_267 = tpu.memref_slice %arg2[%add3A_77] : memref<106496xi32, #tpu.memory_space<hbm>> -> memref<128xi32, #tpu.memory_space<hbm>>
    %dma_wait3A_268 = arith.constant 1152 : i32
    %dma_wait3A_269 = tpu.memref_slice %arg8[%dma_wait3A_268] : memref<3328xi32, #tpu.memory_space<vmem>> -> memref<128xi32, #tpu.memory_space<vmem>>
    %dma_wait3A_270 = tpu.memref_slice %arg2[%add3A_77] : memref<106496xi32, #tpu.memory_space<hbm>> -> memref<128xi32, #tpu.memory_space<hbm>>
    tpu.wait_dma2 semaphore(%arg14 : memref<!tpu.dma_semaphore, #tpu.memory_space<semaphore_mem>>) src(%dma_wait3A_270 : memref<128xi32, #tpu.memory_space<hbm>>) dst(%dma_wait3A_269 : memref<128xi32, #tpu.memory_space<vmem>>)
    %dma_wait3A_271 = arith.constant 1280 : i32
    %dma_wait3A_272 = tpu.memref_slice %arg8[%dma_wait3A_271] : memref<3328xi32, #tpu.memory_space<vmem>> -> memref<128xi32, #tpu.memory_space<vmem>>
    %dma_wait3A_273 = tpu.memref_slice %arg2[%add3A_85] : memref<106496xi32, #tpu.memory_space<hbm>> -> memref<128xi32, #tpu.memory_space<hbm>>
    %dma_wait3A_274 = arith.constant 1280 : i32
    %dma_wait3A_275 = tpu.memref_slice %arg8[%dma_wait3A_274] : memref<3328xi32, #tpu.memory_space<vmem>> -> memref<128xi32, #tpu.memory_space<vmem>>
    %dma_wait3A_276 = tpu.memref_slice %arg2[%add3A_85] : memref<106496xi32, #tpu.memory_space<hbm>> -> memref<128xi32, #tpu.memory_space<hbm>>
    tpu.wait_dma2 semaphore(%arg14 : memref<!tpu.dma_semaphore, #tpu.memory_space<semaphore_mem>>) src(%dma_wait3A_276 : memref<128xi32, #tpu.memory_space<hbm>>) dst(%dma_wait3A_275 : memref<128xi32, #tpu.memory_space<vmem>>)
    %dma_wait3A_277 = arith.constant 1408 : i32
    %dma_wait3A_278 = tpu.memref_slice %arg8[%dma_wait3A_277] : memref<3328xi32, #tpu.memory_space<vmem>> -> memref<128xi32, #tpu.memory_space<vmem>>
    %dma_wait3A_279 = tpu.memref_slice %arg2[%add3A_93] : memref<106496xi32, #tpu.memory_space<hbm>> -> memref<128xi32, #tpu.memory_space<hbm>>
    %dma_wait3A_280 = arith.constant 1408 : i32
    %dma_wait3A_281 = tpu.memref_slice %arg8[%dma_wait3A_280] : memref<3328xi32, #tpu.memory_space<vmem>> -> memref<128xi32, #tpu.memory_space<vmem>>
    %dma_wait3A_282 = tpu.memref_slice %arg2[%add3A_93] : memref<106496xi32, #tpu.memory_space<hbm>> -> memref<128xi32, #tpu.memory_space<hbm>>
    tpu.wait_dma2 semaphore(%arg14 : memref<!tpu.dma_semaphore, #tpu.memory_space<semaphore_mem>>) src(%dma_wait3A_282 : memref<128xi32, #tpu.memory_space<hbm>>) dst(%dma_wait3A_281 : memref<128xi32, #tpu.memory_space<vmem>>)
    %dma_wait3A_283 = arith.constant 1536 : i32
    %dma_wait3A_284 = tpu.memref_slice %arg8[%dma_wait3A_283] : memref<3328xi32, #tpu.memory_space<vmem>> -> memref<128xi32, #tpu.memory_space<vmem>>
    %dma_wait3A_285 = tpu.memref_slice %arg2[%add3A_101] : memref<106496xi32, #tpu.memory_space<hbm>> -> memref<128xi32, #tpu.memory_space<hbm>>
    %dma_wait3A_286 = arith.constant 1536 : i32
    %dma_wait3A_287 = tpu.memref_slice %arg8[%dma_wait3A_286] : memref<3328xi32, #tpu.memory_space<vmem>> -> memref<128xi32, #tpu.memory_space<vmem>>
    %dma_wait3A_288 = tpu.memref_slice %arg2[%add3A_101] : memref<106496xi32, #tpu.memory_space<hbm>> -> memref<128xi32, #tpu.memory_space<hbm>>
    tpu.wait_dma2 semaphore(%arg14 : memref<!tpu.dma_semaphore, #tpu.memory_space<semaphore_mem>>) src(%dma_wait3A_288 : memref<128xi32, #tpu.memory_space<hbm>>) dst(%dma_wait3A_287 : memref<128xi32, #tpu.memory_space<vmem>>)
    %dma_wait3A_289 = arith.constant 1664 : i32
    %dma_wait3A_290 = tpu.memref_slice %arg8[%dma_wait3A_289] : memref<3328xi32, #tpu.memory_space<vmem>> -> memref<128xi32, #tpu.memory_space<vmem>>
    %dma_wait3A_291 = tpu.memref_slice %arg2[%add3A_109] : memref<106496xi32, #tpu.memory_space<hbm>> -> memref<128xi32, #tpu.memory_space<hbm>>
    %dma_wait3A_292 = arith.constant 1664 : i32
    %dma_wait3A_293 = tpu.memref_slice %arg8[%dma_wait3A_292] : memref<3328xi32, #tpu.memory_space<vmem>> -> memref<128xi32, #tpu.memory_space<vmem>>
    %dma_wait3A_294 = tpu.memref_slice %arg2[%add3A_109] : memref<106496xi32, #tpu.memory_space<hbm>> -> memref<128xi32, #tpu.memory_space<hbm>>
    tpu.wait_dma2 semaphore(%arg14 : memref<!tpu.dma_semaphore, #tpu.memory_space<semaphore_mem>>) src(%dma_wait3A_294 : memref<128xi32, #tpu.memory_space<hbm>>) dst(%dma_wait3A_293 : memref<128xi32, #tpu.memory_space<vmem>>)
    %dma_wait3A_295 = arith.constant 1792 : i32
    %dma_wait3A_296 = tpu.memref_slice %arg8[%dma_wait3A_295] : memref<3328xi32, #tpu.memory_space<vmem>> -> memref<128xi32, #tpu.memory_space<vmem>>
    %dma_wait3A_297 = tpu.memref_slice %arg2[%add3A_117] : memref<106496xi32, #tpu.memory_space<hbm>> -> memref<128xi32, #tpu.memory_space<hbm>>
    %dma_wait3A_298 = arith.constant 1792 : i32
    %dma_wait3A_299 = tpu.memref_slice %arg8[%dma_wait3A_298] : memref<3328xi32, #tpu.memory_space<vmem>> -> memref<128xi32, #tpu.memory_space<vmem>>
    %dma_wait3A_300 = tpu.memref_slice %arg2[%add3A_117] : memref<106496xi32, #tpu.memory_space<hbm>> -> memref<128xi32, #tpu.memory_space<hbm>>
    tpu.wait_dma2 semaphore(%arg14 : memref<!tpu.dma_semaphore, #tpu.memory_space<semaphore_mem>>) src(%dma_wait3A_300 : memref<128xi32, #tpu.memory_space<hbm>>) dst(%dma_wait3A_299 : memref<128xi32, #tpu.memory_space<vmem>>)
    %dma_wait3A_301 = arith.constant 1920 : i32
    %dma_wait3A_302 = tpu.memref_slice %arg8[%dma_wait3A_301] : memref<3328xi32, #tpu.memory_space<vmem>> -> memref<128xi32, #tpu.memory_space<vmem>>
    %dma_wait3A_303 = tpu.memref_slice %arg2[%add3A_125] : memref<106496xi32, #tpu.memory_space<hbm>> -> memref<128xi32, #tpu.memory_space<hbm>>
    %dma_wait3A_304 = arith.constant 1920 : i32
    %dma_wait3A_305 = tpu.memref_slice %arg8[%dma_wait3A_304] : memref<3328xi32, #tpu.memory_space<vmem>> -> memref<128xi32, #tpu.memory_space<vmem>>
    %dma_wait3A_306 = tpu.memref_slice %arg2[%add3A_125] : memref<106496xi32, #tpu.memory_space<hbm>> -> memref<128xi32, #tpu.memory_space<hbm>>
    tpu.wait_dma2 semaphore(%arg14 : memref<!tpu.dma_semaphore, #tpu.memory_space<semaphore_mem>>) src(%dma_wait3A_306 : memref<128xi32, #tpu.memory_space<hbm>>) dst(%dma_wait3A_305 : memref<128xi32, #tpu.memory_space<vmem>>)
    %dma_wait3A_307 = arith.constant 2048 : i32
    %dma_wait3A_308 = tpu.memref_slice %arg8[%dma_wait3A_307] : memref<3328xi32, #tpu.memory_space<vmem>> -> memref<128xi32, #tpu.memory_space<vmem>>
    %dma_wait3A_309 = tpu.memref_slice %arg2[%add3A_133] : memref<106496xi32, #tpu.memory_space<hbm>> -> memref<128xi32, #tpu.memory_space<hbm>>
    %dma_wait3A_310 = arith.constant 2048 : i32
    %dma_wait3A_311 = tpu.memref_slice %arg8[%dma_wait3A_310] : memref<3328xi32, #tpu.memory_space<vmem>> -> memref<128xi32, #tpu.memory_space<vmem>>
    %dma_wait3A_312 = tpu.memref_slice %arg2[%add3A_133] : memref<106496xi32, #tpu.memory_space<hbm>> -> memref<128xi32, #tpu.memory_space<hbm>>
    tpu.wait_dma2 semaphore(%arg14 : memref<!tpu.dma_semaphore, #tpu.memory_space<semaphore_mem>>) src(%dma_wait3A_312 : memref<128xi32, #tpu.memory_space<hbm>>) dst(%dma_wait3A_311 : memref<128xi32, #tpu.memory_space<vmem>>)
    %dma_wait3A_313 = arith.constant 2176 : i32
    %dma_wait3A_314 = tpu.memref_slice %arg8[%dma_wait3A_313] : memref<3328xi32, #tpu.memory_space<vmem>> -> memref<128xi32, #tpu.memory_space<vmem>>
    %dma_wait3A_315 = tpu.memref_slice %arg2[%add3A_141] : memref<106496xi32, #tpu.memory_space<hbm>> -> memref<128xi32, #tpu.memory_space<hbm>>
    %dma_wait3A_316 = arith.constant 2176 : i32
    %dma_wait3A_317 = tpu.memref_slice %arg8[%dma_wait3A_316] : memref<3328xi32, #tpu.memory_space<vmem>> -> memref<128xi32, #tpu.memory_space<vmem>>
    %dma_wait3A_318 = tpu.memref_slice %arg2[%add3A_141] : memref<106496xi32, #tpu.memory_space<hbm>> -> memref<128xi32, #tpu.memory_space<hbm>>
    tpu.wait_dma2 semaphore(%arg14 : memref<!tpu.dma_semaphore, #tpu.memory_space<semaphore_mem>>) src(%dma_wait3A_318 : memref<128xi32, #tpu.memory_space<hbm>>) dst(%dma_wait3A_317 : memref<128xi32, #tpu.memory_space<vmem>>)
    %dma_wait3A_319 = arith.constant 2304 : i32
    %dma_wait3A_320 = tpu.memref_slice %arg8[%dma_wait3A_319] : memref<3328xi32, #tpu.memory_space<vmem>> -> memref<128xi32, #tpu.memory_space<vmem>>
    %dma_wait3A_321 = tpu.memref_slice %arg2[%add3A_149] : memref<106496xi32, #tpu.memory_space<hbm>> -> memref<128xi32, #tpu.memory_space<hbm>>
    %dma_wait3A_322 = arith.constant 2304 : i32
    %dma_wait3A_323 = tpu.memref_slice %arg8[%dma_wait3A_322] : memref<3328xi32, #tpu.memory_space<vmem>> -> memref<128xi32, #tpu.memory_space<vmem>>
    %dma_wait3A_324 = tpu.memref_slice %arg2[%add3A_149] : memref<106496xi32, #tpu.memory_space<hbm>> -> memref<128xi32, #tpu.memory_space<hbm>>
    tpu.wait_dma2 semaphore(%arg14 : memref<!tpu.dma_semaphore, #tpu.memory_space<semaphore_mem>>) src(%dma_wait3A_324 : memref<128xi32, #tpu.memory_space<hbm>>) dst(%dma_wait3A_323 : memref<128xi32, #tpu.memory_space<vmem>>)
    %dma_wait3A_325 = arith.constant 2432 : i32
    %dma_wait3A_326 = tpu.memref_slice %arg8[%dma_wait3A_325] : memref<3328xi32, #tpu.memory_space<vmem>> -> memref<128xi32, #tpu.memory_space<vmem>>
    %dma_wait3A_327 = tpu.memref_slice %arg2[%add3A_157] : memref<106496xi32, #tpu.memory_space<hbm>> -> memref<128xi32, #tpu.memory_space<hbm>>
    %dma_wait3A_328 = arith.constant 2432 : i32
    %dma_wait3A_329 = tpu.memref_slice %arg8[%dma_wait3A_328] : memref<3328xi32, #tpu.memory_space<vmem>> -> memref<128xi32, #tpu.memory_space<vmem>>
    %dma_wait3A_330 = tpu.memref_slice %arg2[%add3A_157] : memref<106496xi32, #tpu.memory_space<hbm>> -> memref<128xi32, #tpu.memory_space<hbm>>
    tpu.wait_dma2 semaphore(%arg14 : memref<!tpu.dma_semaphore, #tpu.memory_space<semaphore_mem>>) src(%dma_wait3A_330 : memref<128xi32, #tpu.memory_space<hbm>>) dst(%dma_wait3A_329 : memref<128xi32, #tpu.memory_space<vmem>>)
    %dma_wait3A_331 = arith.constant 2560 : i32
    %dma_wait3A_332 = tpu.memref_slice %arg8[%dma_wait3A_331] : memref<3328xi32, #tpu.memory_space<vmem>> -> memref<128xi32, #tpu.memory_space<vmem>>
    %dma_wait3A_333 = tpu.memref_slice %arg2[%add3A_165] : memref<106496xi32, #tpu.memory_space<hbm>> -> memref<128xi32, #tpu.memory_space<hbm>>
    %dma_wait3A_334 = arith.constant 2560 : i32
    %dma_wait3A_335 = tpu.memref_slice %arg8[%dma_wait3A_334] : memref<3328xi32, #tpu.memory_space<vmem>> -> memref<128xi32, #tpu.memory_space<vmem>>
    %dma_wait3A_336 = tpu.memref_slice %arg2[%add3A_165] : memref<106496xi32, #tpu.memory_space<hbm>> -> memref<128xi32, #tpu.memory_space<hbm>>
    tpu.wait_dma2 semaphore(%arg14 : memref<!tpu.dma_semaphore, #tpu.memory_space<semaphore_mem>>) src(%dma_wait3A_336 : memref<128xi32, #tpu.memory_space<hbm>>) dst(%dma_wait3A_335 : memref<128xi32, #tpu.memory_space<vmem>>)
    %dma_wait3A_337 = arith.constant 2688 : i32
    %dma_wait3A_338 = tpu.memref_slice %arg8[%dma_wait3A_337] : memref<3328xi32, #tpu.memory_space<vmem>> -> memref<128xi32, #tpu.memory_space<vmem>>
    %dma_wait3A_339 = tpu.memref_slice %arg2[%add3A_173] : memref<106496xi32, #tpu.memory_space<hbm>> -> memref<128xi32, #tpu.memory_space<hbm>>
    %dma_wait3A_340 = arith.constant 2688 : i32
    %dma_wait3A_341 = tpu.memref_slice %arg8[%dma_wait3A_340] : memref<3328xi32, #tpu.memory_space<vmem>> -> memref<128xi32, #tpu.memory_space<vmem>>
    %dma_wait3A_342 = tpu.memref_slice %arg2[%add3A_173] : memref<106496xi32, #tpu.memory_space<hbm>> -> memref<128xi32, #tpu.memory_space<hbm>>
    tpu.wait_dma2 semaphore(%arg14 : memref<!tpu.dma_semaphore, #tpu.memory_space<semaphore_mem>>) src(%dma_wait3A_342 : memref<128xi32, #tpu.memory_space<hbm>>) dst(%dma_wait3A_341 : memref<128xi32, #tpu.memory_space<vmem>>)
    %dma_wait3A_343 = arith.constant 2816 : i32
    %dma_wait3A_344 = tpu.memref_slice %arg8[%dma_wait3A_343] : memref<3328xi32, #tpu.memory_space<vmem>> -> memref<128xi32, #tpu.memory_space<vmem>>
    %dma_wait3A_345 = tpu.memref_slice %arg2[%add3A_181] : memref<106496xi32, #tpu.memory_space<hbm>> -> memref<128xi32, #tpu.memory_space<hbm>>
    %dma_wait3A_346 = arith.constant 2816 : i32
    %dma_wait3A_347 = tpu.memref_slice %arg8[%dma_wait3A_346] : memref<3328xi32, #tpu.memory_space<vmem>> -> memref<128xi32, #tpu.memory_space<vmem>>
    %dma_wait3A_348 = tpu.memref_slice %arg2[%add3A_181] : memref<106496xi32, #tpu.memory_space<hbm>> -> memref<128xi32, #tpu.memory_space<hbm>>
    tpu.wait_dma2 semaphore(%arg14 : memref<!tpu.dma_semaphore, #tpu.memory_space<semaphore_mem>>) src(%dma_wait3A_348 : memref<128xi32, #tpu.memory_space<hbm>>) dst(%dma_wait3A_347 : memref<128xi32, #tpu.memory_space<vmem>>)
    %dma_wait3A_349 = arith.constant 2944 : i32
    %dma_wait3A_350 = tpu.memref_slice %arg8[%dma_wait3A_349] : memref<3328xi32, #tpu.memory_space<vmem>> -> memref<128xi32, #tpu.memory_space<vmem>>
    %dma_wait3A_351 = tpu.memref_slice %arg2[%add3A_189] : memref<106496xi32, #tpu.memory_space<hbm>> -> memref<128xi32, #tpu.memory_space<hbm>>
    %dma_wait3A_352 = arith.constant 2944 : i32
    %dma_wait3A_353 = tpu.memref_slice %arg8[%dma_wait3A_352] : memref<3328xi32, #tpu.memory_space<vmem>> -> memref<128xi32, #tpu.memory_space<vmem>>
    %dma_wait3A_354 = tpu.memref_slice %arg2[%add3A_189] : memref<106496xi32, #tpu.memory_space<hbm>> -> memref<128xi32, #tpu.memory_space<hbm>>
    tpu.wait_dma2 semaphore(%arg14 : memref<!tpu.dma_semaphore, #tpu.memory_space<semaphore_mem>>) src(%dma_wait3A_354 : memref<128xi32, #tpu.memory_space<hbm>>) dst(%dma_wait3A_353 : memref<128xi32, #tpu.memory_space<vmem>>)
    %dma_wait3A_355 = arith.constant 3072 : i32
    %dma_wait3A_356 = tpu.memref_slice %arg8[%dma_wait3A_355] : memref<3328xi32, #tpu.memory_space<vmem>> -> memref<128xi32, #tpu.memory_space<vmem>>
    %dma_wait3A_357 = tpu.memref_slice %arg2[%add3A_197] : memref<106496xi32, #tpu.memory_space<hbm>> -> memref<128xi32, #tpu.memory_space<hbm>>
    %dma_wait3A_358 = arith.constant 3072 : i32
    %dma_wait3A_359 = tpu.memref_slice %arg8[%dma_wait3A_358] : memref<3328xi32, #tpu.memory_space<vmem>> -> memref<128xi32, #tpu.memory_space<vmem>>
    %dma_wait3A_360 = tpu.memref_slice %arg2[%add3A_197] : memref<106496xi32, #tpu.memory_space<hbm>> -> memref<128xi32, #tpu.memory_space<hbm>>
    tpu.wait_dma2 semaphore(%arg14 : memref<!tpu.dma_semaphore, #tpu.memory_space<semaphore_mem>>) src(%dma_wait3A_360 : memref<128xi32, #tpu.memory_space<hbm>>) dst(%dma_wait3A_359 : memref<128xi32, #tpu.memory_space<vmem>>)
    %dma_wait3A_361 = arith.constant 3200 : i32
    %dma_wait3A_362 = tpu.memref_slice %arg8[%dma_wait3A_361] : memref<3328xi32, #tpu.memory_space<vmem>> -> memref<128xi32, #tpu.memory_space<vmem>>
    %dma_wait3A_363 = tpu.memref_slice %arg2[%add3A_205] : memref<106496xi32, #tpu.memory_space<hbm>> -> memref<128xi32, #tpu.memory_space<hbm>>
    %dma_wait3A_364 = arith.constant 3200 : i32
    %dma_wait3A_365 = tpu.memref_slice %arg8[%dma_wait3A_364] : memref<3328xi32, #tpu.memory_space<vmem>> -> memref<128xi32, #tpu.memory_space<vmem>>
    %dma_wait3A_366 = tpu.memref_slice %arg2[%add3A_205] : memref<106496xi32, #tpu.memory_space<hbm>> -> memref<128xi32, #tpu.memory_space<hbm>>
    tpu.wait_dma2 semaphore(%arg14 : memref<!tpu.dma_semaphore, #tpu.memory_space<semaphore_mem>>) src(%dma_wait3A_366 : memref<128xi32, #tpu.memory_space<hbm>>) dst(%dma_wait3A_365 : memref<128xi32, #tpu.memory_space<vmem>>)
    %scan3A = arith.constant 0 : i32
    %scan3A_367 = arith.constant 0 : i32
    %scan3A_368 = arith.constant 4 : i32
    %scan3A_369 = arith.addi %scan3A_367, %scan3A_368 : i32
    %scan3A_370 = arith.constant 1 : i32
    scf.for %scan3A_378 = %scan3A_367 to %scan3A_369 step %scan3A_370  : i32 {
      %scan3A_379 = arith.constant 0 : i32
      %scan3A_380 = arith.constant 0 : i32
      %scan3A_381 = arith.constant 832 : i32
      %scan3A_382 = arith.addi %scan3A_380, %scan3A_381 : i32
      %scan3A_383 = arith.constant 1 : i32
      scf.for %scan3A_404 = %scan3A_380 to %scan3A_382 step %scan3A_383  : i32 {
        %mul3A_405 = arith.constant 16 : i32
        %mul3A_406 = arith.muli %scan3A_404, %mul3A_405 : i32
        %add3A_407 = vector.broadcast %mul3A_406 : i32 to vector<16xi32>
        %add3A_408 = arith.addi %add3A_407, %iota3A : vector<16xi32>
        %jit3A = arith.constant 416 : i32
        %eq3A = arith.constant 0 : i32
        %eq3A_409 = arith.cmpi eq, %jit3A, %eq3A : i32
        %jit3A_410 = arith.constant 1 : i32
        %select_n3A = arith.select %eq3A_409, %jit3A_410, %jit3A : i32
        %rem3A = vector.broadcast %select_n3A : i32 to vector<16xi32>
        %rem3A_411 = arith.remsi %add3A_408, %rem3A : vector<16xi32>
        %ne3A = arith.constant 0 : i32
        %ne3A_412 = vector.broadcast %ne3A : i32 to vector<16xi32>
        %ne3A_413 = arith.cmpi ne, %rem3A_411, %ne3A_412 : vector<16xi32>
        %lt3A = arith.constant 0 : i32
        %lt3A_414 = vector.broadcast %lt3A : i32 to vector<16xi32>
        %lt3A_415 = arith.cmpi slt, %rem3A_411, %lt3A_414 : vector<16xi32>
        %lt3A_416 = arith.constant 0 : i32
        %lt3A_417 = arith.cmpi slt, %select_n3A, %lt3A_416 : i32
        %ne3A_418 = vector.broadcast %lt3A_417 : i1 to vector<16xi1>
        %ne3A_419 = vector.broadcast %ne3A_418 : vector<16xi1> to vector<16xi1>
        %ne3A_420 = arith.xori %lt3A_415, %ne3A_419 : vector<16xi1>
        %and3A = arith.andi %ne3A_420, %ne3A_413 : vector<16xi1>
        %add3A_421 = vector.broadcast %select_n3A : i32 to vector<16xi32>
        %add3A_422 = arith.addi %rem3A_411, %add3A_421 : vector<16xi32>
        %select_n3A_423 = arith.select %and3A, %add3A_422, %rem3A_411 : vector<16xi1>, vector<16xi32>
        %mul3A_424 = arith.constant 32 : i32
        %mul3A_425 = arith.muli %scan3A_378, %mul3A_424 : i32
        %jit3A_426 = arith.constant 416 : i32
        %div3A = vector.broadcast %jit3A_426 : i32 to vector<16xi32>
        %div3A_427 = arith.divsi %add3A_408, %div3A : vector<16xi32>
        %sign3A = arith.constant 0 : i32
        %sign3A_428 = vector.broadcast %sign3A : i32 to vector<16xi32>
        %sign3A_429 = arith.cmpi sgt, %add3A_408, %sign3A_428 : vector<16xi32>
        %sign3A_430 = arith.extui %sign3A_429 : vector<16xi1> to vector<16xi32>
        %sign3A_431 = arith.constant 0 : i32
        %sign3A_432 = vector.broadcast %sign3A_431 : i32 to vector<16xi32>
        %sign3A_433 = arith.cmpi slt, %add3A_408, %sign3A_432 : vector<16xi32>
        %sign3A_434 = arith.extui %sign3A_433 : vector<16xi1> to vector<16xi32>
        %sign3A_435 = arith.subi %sign3A_430, %sign3A_434 : vector<16xi32>
        %sign3A_436 = arith.constant 0 : i32
        %sign3A_437 = arith.cmpi sgt, %jit3A_426, %sign3A_436 : i32
        %sign3A_438 = arith.extui %sign3A_437 : i1 to i32
        %sign3A_439 = arith.constant 0 : i32
        %sign3A_440 = arith.cmpi slt, %jit3A_426, %sign3A_439 : i32
        %sign3A_441 = arith.extui %sign3A_440 : i1 to i32
        %sign3A_442 = arith.subi %sign3A_438, %sign3A_441 : i32
        %ne3A_443 = vector.broadcast %sign3A_442 : i32 to vector<16xi32>
        %ne3A_444 = arith.cmpi ne, %sign3A_435, %ne3A_443 : vector<16xi32>
        %rem3A_445 = vector.broadcast %jit3A_426 : i32 to vector<16xi32>
        %rem3A_446 = arith.remsi %add3A_408, %rem3A_445 : vector<16xi32>
        %ne3A_447 = arith.constant 0 : i32
        %ne3A_448 = vector.broadcast %ne3A_447 : i32 to vector<16xi32>
        %ne3A_449 = arith.cmpi ne, %rem3A_446, %ne3A_448 : vector<16xi32>
        %and3A_450 = arith.andi %ne3A_444, %ne3A_449 : vector<16xi1>
        %sub3A = arith.constant 1 : i32
        %sub3A_451 = vector.broadcast %sub3A : i32 to vector<16xi32>
        %sub3A_452 = arith.subi %div3A_427, %sub3A_451 : vector<16xi32>
        %select_n3A_453 = arith.select %and3A_450, %sub3A_452, %div3A_427 : vector<16xi1>, vector<16xi32>
        %add3A_454 = vector.broadcast %mul3A_425 : i32 to vector<16xi32>
        %add3A_455 = arith.addi %add3A_454, %select_n3A_453 : vector<16xi32>
        %jit3A_456 = arith.constant 16 : i32
        %div3A_457 = vector.broadcast %jit3A_456 : i32 to vector<16xi32>
        %div3A_458 = arith.divsi %select_n3A_423, %div3A_457 : vector<16xi32>
        %sign3A_459 = arith.constant 0 : i32
        %sign3A_460 = vector.broadcast %sign3A_459 : i32 to vector<16xi32>
        %sign3A_461 = arith.cmpi sgt, %select_n3A_423, %sign3A_460 : vector<16xi32>
        %sign3A_462 = arith.extui %sign3A_461 : vector<16xi1> to vector<16xi32>
        %sign3A_463 = arith.constant 0 : i32
        %sign3A_464 = vector.broadcast %sign3A_463 : i32 to vector<16xi32>
        %sign3A_465 = arith.cmpi slt, %select_n3A_423, %sign3A_464 : vector<16xi32>
        %sign3A_466 = arith.extui %sign3A_465 : vector<16xi1> to vector<16xi32>
        %sign3A_467 = arith.subi %sign3A_462, %sign3A_466 : vector<16xi32>
        %sign3A_468 = arith.constant 0 : i32
        %sign3A_469 = arith.cmpi sgt, %jit3A_456, %sign3A_468 : i32
        %sign3A_470 = arith.extui %sign3A_469 : i1 to i32
        %sign3A_471 = arith.constant 0 : i32
        %sign3A_472 = arith.cmpi slt, %jit3A_456, %sign3A_471 : i32
        %sign3A_473 = arith.extui %sign3A_472 : i1 to i32
        %sign3A_474 = arith.subi %sign3A_470, %sign3A_473 : i32
        %ne3A_475 = vector.broadcast %sign3A_474 : i32 to vector<16xi32>
        %ne3A_476 = arith.cmpi ne, %sign3A_467, %ne3A_475 : vector<16xi32>
        %rem3A_477 = vector.broadcast %jit3A_456 : i32 to vector<16xi32>
        %rem3A_478 = arith.remsi %select_n3A_423, %rem3A_477 : vector<16xi32>
        %ne3A_479 = arith.constant 0 : i32
        %ne3A_480 = vector.broadcast %ne3A_479 : i32 to vector<16xi32>
        %ne3A_481 = arith.cmpi ne, %rem3A_478, %ne3A_480 : vector<16xi32>
        %and3A_482 = arith.andi %ne3A_476, %ne3A_481 : vector<16xi1>
        %sub3A_483 = arith.constant 1 : i32
        %sub3A_484 = vector.broadcast %sub3A_483 : i32 to vector<16xi32>
        %sub3A_485 = arith.subi %div3A_458, %sub3A_484 : vector<16xi32>
        %select_n3A_486 = arith.select %and3A_482, %sub3A_485, %div3A_458 : vector<16xi1>, vector<16xi32>
        %mul3A_487 = arith.constant 128 : i32
        %mul3A_488 = vector.broadcast %mul3A_487 : i32 to vector<16xi32>
        %mul3A_489 = arith.muli %select_n3A_486, %mul3A_488 : vector<16xi32>
        %add3A_490 = arith.addi %mul3A_489, %add3A_455 : vector<16xi32>
        %gather3A = tpu.vector_load_idx %arg8[%add3A_490] : memref<3328xi32, #tpu.memory_space<vmem>>[vector<16xi32>], vector<16xi32>,
        %mul3A_491 = arith.constant 100000 : i32
        %mul3A_492 = vector.broadcast %mul3A_491 : i32 to vector<16xi32>
        %mul3A_493 = arith.muli %select_n3A_423, %mul3A_492 : vector<16xi32>
        %add3A_494 = arith.addi %mul3A_493, %gather3A : vector<16xi32>
        %jit3A_495 = arith.constant 8 : i32
        %div3A_496 = arith.divsi %scan3A_404, %jit3A_495 : i32
        %sign3A_497 = arith.constant 0 : i32
        %sign3A_498 = arith.cmpi sgt, %scan3A_404, %sign3A_497 : i32
        %sign3A_499 = arith.extui %sign3A_498 : i1 to i32
        %sign3A_500 = arith.constant 0 : i32
        %sign3A_501 = arith.cmpi slt, %scan3A_404, %sign3A_500 : i32
        %sign3A_502 = arith.extui %sign3A_501 : i1 to i32
        %sign3A_503 = arith.subi %sign3A_499, %sign3A_502 : i32
        %sign3A_504 = arith.constant 0 : i32
        %sign3A_505 = arith.cmpi sgt, %jit3A_495, %sign3A_504 : i32
        %sign3A_506 = arith.extui %sign3A_505 : i1 to i32
        %sign3A_507 = arith.constant 0 : i32
        %sign3A_508 = arith.cmpi slt, %jit3A_495, %sign3A_507 : i32
        %sign3A_509 = arith.extui %sign3A_508 : i1 to i32
        %sign3A_510 = arith.subi %sign3A_506, %sign3A_509 : i32
        %ne3A_511 = arith.cmpi ne, %sign3A_503, %sign3A_510 : i32
        %rem3A_512 = arith.remsi %scan3A_404, %jit3A_495 : i32
        %ne3A_513 = arith.constant 0 : i32
        %ne3A_514 = arith.cmpi ne, %rem3A_512, %ne3A_513 : i32
        %and3A_515 = arith.andi %ne3A_511, %ne3A_514 : i1
        %sub3A_516 = arith.constant 1 : i32
        %sub3A_517 = arith.subi %div3A_496, %sub3A_516 : i32
        %select_n3A_518 = arith.select %and3A_515, %sub3A_517, %div3A_496 : i32
        %jit3A_519 = arith.constant 8 : i32
        %eq3A_520 = arith.constant 0 : i32
        %eq3A_521 = arith.cmpi eq, %jit3A_519, %eq3A_520 : i32
        %jit3A_522 = arith.constant 1 : i32
        %select_n3A_523 = arith.select %eq3A_521, %jit3A_522, %jit3A_519 : i32
        %rem3A_524 = arith.remsi %scan3A_404, %select_n3A_523 : i32
        %ne3A_525 = arith.constant 0 : i32
        %ne3A_526 = arith.cmpi ne, %rem3A_524, %ne3A_525 : i32
        %lt3A_527 = arith.constant 0 : i32
        %lt3A_528 = arith.cmpi slt, %rem3A_524, %lt3A_527 : i32
        %lt3A_529 = arith.constant 0 : i32
        %lt3A_530 = arith.cmpi slt, %select_n3A_523, %lt3A_529 : i32
        %ne3A_531 = arith.xori %lt3A_528, %lt3A_530 : i1
        %and3A_532 = arith.andi %ne3A_531, %ne3A_526 : i1
        %add3A_533 = arith.addi %rem3A_524, %select_n3A_523 : i32
        %select_n3A_534 = arith.select %and3A_532, %add3A_533, %rem3A_524 : i32
        %mul3A_535 = arith.constant 16 : i32
        %mul3A_536 = arith.muli %select_n3A_534, %mul3A_535 : i32
        %swap3A = arith.index_cast %select_n3A_518 : i32 to index
        %swap3A_537 = arith.index_cast %mul3A_536 : i32 to index
        %swap3A_538 = tpu.vector_load %arg9[%swap3A, %swap3A_537] {strides = array<i32>} : memref<104x128xi32, #tpu.memory_space<vmem>>, vector<16xi32>,
        tpu.vector_store %arg9[%swap3A, %swap3A_537], %add3A_494 {strides = array<i32>} : memref<104x128xi32, #tpu.memory_space<vmem>>, vector<16xi32>,
      }
      %scan3A_384 = arith.constant 832 : i32
      %scan3A_385 = arith.constant 0 : i32
      %scan3A_386 = arith.constant 0 : i32
      %scan3A_387 = arith.constant 104 : i32
      %scan3A_388 = arith.addi %scan3A_386, %scan3A_387 : i32
      %scan3A_389 = arith.constant 1 : i32
      scf.for %scan3A_404 = %scan3A_386 to %scan3A_388 step %scan3A_389  : i32 {
        %mul3A_405 = arith.constant 128 : i32
        %mul3A_406 = arith.muli %scan3A_404, %mul3A_405 : i32
        %dma_start3A_407 = tpu.memref_slice %arg10[%mul3A_406] : memref<13312xf32, #tpu.memory_space<vmem>> -> memref<128xf32, #tpu.memory_space<vmem>>
        %dma_start3A_408 = arith.constant 0 : i32
        %dma_start3A_409 = tpu.memref_slice %arg9[%scan3A_404, %dma_start3A_408] : memref<104x128xi32, #tpu.memory_space<vmem>> -> memref<1x128xi32, #tpu.memory_space<vmem>>
        %dma_start3A_410 = tpu.memref_squeeze %dma_start3A_409 : memref<1x128xi32, #tpu.memory_space<vmem>> -> memref<128xi32, #tpu.memory_space<vmem>>
        %dma_start3A_411 = arith.constant 0 : i32
        %dma_start3A_412 = tpu.memref_slice %arg4[%dma_start3A_411] : memref<41600000xf32, #tpu.memory_space<hbm>> -> memref<41600000xf32, #tpu.memory_space<hbm>>
        tpu.enqueue_indirect_dma source(%dma_start3A_412 : memref<41600000xf32, #tpu.memory_space<hbm>>) target(%dma_start3A_407 : memref<128xf32, #tpu.memory_space<vmem>>) offsets(%dma_start3A_410 : memref<128xi32, #tpu.memory_space<vmem>>) semaphore(%arg14 : memref<!tpu.dma_semaphore, #tpu.memory_space<semaphore_mem>>)
      }
      %scan3A_390 = arith.constant 104 : i32
      %dma_wait3A_391 = arith.constant 0 : i32
      %dma_wait3A_392 = tpu.memref_slice %arg4[%dma_wait3A_391] : memref<41600000xf32, #tpu.memory_space<hbm>> -> memref<13312xf32, #tpu.memory_space<hbm>>
      %dma_wait3A_393 = arith.constant 0 : i32
      %dma_wait3A_394 = tpu.memref_slice %arg4[%dma_wait3A_393] : memref<41600000xf32, #tpu.memory_space<hbm>> -> memref<13312xf32, #tpu.memory_space<hbm>>
      tpu.wait_dma2 semaphore(%arg14 : memref<!tpu.dma_semaphore, #tpu.memory_space<semaphore_mem>>) src(%dma_wait3A_394 : memref<13312xf32, #tpu.memory_space<hbm>>) dst(%arg10 : memref<13312xf32, #tpu.memory_space<vmem>>)
      %mul3A_395 = arith.constant 32 : i32
      %mul3A_396 = arith.muli %scan3A_378, %mul3A_395 : i32
      %add3A_397 = arith.addi %mul3A_2, %mul3A_396 : i32
      %mul3A_398 = arith.constant 416 : i32
      %mul3A_399 = arith.muli %add3A_397, %mul3A_398 : i32
      %dma_start3A_400 = tpu.memref_slice %arg6[%mul3A_399] : memref<1703936xf32, #tpu.memory_space<hbm>> -> memref<13312xf32, #tpu.memory_space<hbm>>
      %dma_start3A_401 = tpu.memref_slice %arg6[%mul3A_399] : memref<1703936xf32, #tpu.memory_space<hbm>> -> memref<13312xf32, #tpu.memory_space<hbm>>
      tpu.enqueue_dma source(%arg10 : memref<13312xf32, #tpu.memory_space<vmem>>) target(%dma_start3A_401 : memref<13312xf32, #tpu.memory_space<hbm>>) target_semaphore(%arg14 : memref<!tpu.dma_semaphore, #tpu.memory_space<semaphore_mem>>)
      %dma_wait3A_402 = tpu.memref_slice %arg6[%mul3A_399] : memref<1703936xf32, #tpu.memory_space<hbm>> -> memref<13312xf32, #tpu.memory_space<hbm>>
      %dma_wait3A_403 = tpu.memref_slice %arg6[%mul3A_399] : memref<1703936xf32, #tpu.memory_space<hbm>> -> memref<13312xf32, #tpu.memory_space<hbm>>
      tpu.wait_dma2 semaphore(%arg14 : memref<!tpu.dma_semaphore, #tpu.memory_space<semaphore_mem>>) src(%arg10 : memref<13312xf32, #tpu.memory_space<vmem>>) dst(%dma_wait3A_403 : memref<13312xf32, #tpu.memory_space<hbm>>)
    }
    %scan3A_371 = arith.constant 4 : i32
    %scan3A_372 = arith.constant 0 : i32
    %scan3A_373 = arith.constant 0 : i32
    %scan3A_374 = arith.constant 16 : i32
    %scan3A_375 = arith.addi %scan3A_373, %scan3A_374 : i32
    %scan3A_376 = arith.constant 1 : i32
    scf.for %scan3A_378 = %scan3A_373 to %scan3A_375 step %scan3A_376  : i32 {
      %mul3A_379 = arith.constant 400 : i32
      %mul3A_380 = arith.muli %scan3A_378, %mul3A_379 : i32
      %add3A_381 = arith.addi %mul3A_4, %mul3A_380 : i32
      %dma_start3A_382 = arith.constant 0 : i32
      %dma_start3A_383 = arith.constant 0 : i32
      %dma_start3A_384 = tpu.memref_slice %arg11[%dma_start3A_383] : memref<2048xi32, #tpu.memory_space<vmem>> -> memref<400xi32, #tpu.memory_space<vmem>>
      %dma_start3A_385 = tpu.memref_slice %arg3[%dma_start3A_382, %add3A_381] : memref<5x204800xi32, #tpu.memory_space<hbm>> -> memref<1x400xi32, #tpu.memory_space<hbm>>
      %dma_start3A_386 = tpu.memref_squeeze %dma_start3A_385 : memref<1x400xi32, #tpu.memory_space<hbm>> -> memref<400xi32, #tpu.memory_space<hbm>>
      %dma_start3A_387 = arith.constant 0 : i32
      %dma_start3A_388 = tpu.memref_slice %arg11[%dma_start3A_387] : memref<2048xi32, #tpu.memory_space<vmem>> -> memref<400xi32, #tpu.memory_space<vmem>>
      %dma_start3A_389 = tpu.memref_slice %arg3[%dma_start3A_382, %add3A_381] : memref<5x204800xi32, #tpu.memory_space<hbm>> -> memref<1x400xi32, #tpu.memory_space<hbm>>
      %dma_start3A_390 = tpu.memref_squeeze %dma_start3A_389 : memref<1x400xi32, #tpu.memory_space<hbm>> -> memref<400xi32, #tpu.memory_space<hbm>>
      tpu.enqueue_dma source(%dma_start3A_390 : memref<400xi32, #tpu.memory_space<hbm>>) target(%dma_start3A_388 : memref<400xi32, #tpu.memory_space<vmem>>) target_semaphore(%arg14 : memref<!tpu.dma_semaphore, #tpu.memory_space<semaphore_mem>>)
      %add3A_391 = arith.addi %mul3A_4, %mul3A_380 : i32
      %dma_start3A_392 = arith.constant 1 : i32
      %dma_start3A_393 = arith.constant 400 : i32
      %dma_start3A_394 = tpu.memref_slice %arg11[%dma_start3A_393] : memref<2048xi32, #tpu.memory_space<vmem>> -> memref<400xi32, #tpu.memory_space<vmem>>
      %dma_start3A_395 = tpu.memref_slice %arg3[%dma_start3A_392, %add3A_391] : memref<5x204800xi32, #tpu.memory_space<hbm>> -> memref<1x400xi32, #tpu.memory_space<hbm>>
      %dma_start3A_396 = tpu.memref_squeeze %dma_start3A_395 : memref<1x400xi32, #tpu.memory_space<hbm>> -> memref<400xi32, #tpu.memory_space<hbm>>
      %dma_start3A_397 = arith.constant 400 : i32
      %dma_start3A_398 = tpu.memref_slice %arg11[%dma_start3A_397] : memref<2048xi32, #tpu.memory_space<vmem>> -> memref<400xi32, #tpu.memory_space<vmem>>
      %dma_start3A_399 = tpu.memref_slice %arg3[%dma_start3A_392, %add3A_391] : memref<5x204800xi32, #tpu.memory_space<hbm>> -> memref<1x400xi32, #tpu.memory_space<hbm>>
      %dma_start3A_400 = tpu.memref_squeeze %dma_start3A_399 : memref<1x400xi32, #tpu.memory_space<hbm>> -> memref<400xi32, #tpu.memory_space<hbm>>
      tpu.enqueue_dma source(%dma_start3A_400 : memref<400xi32, #tpu.memory_space<hbm>>) target(%dma_start3A_398 : memref<400xi32, #tpu.memory_space<vmem>>) target_semaphore(%arg14 : memref<!tpu.dma_semaphore, #tpu.memory_space<semaphore_mem>>)
      %add3A_401 = arith.addi %mul3A_4, %mul3A_380 : i32
      %dma_start3A_402 = arith.constant 2 : i32
      %dma_start3A_403 = arith.constant 800 : i32
      %dma_start3A_404 = tpu.memref_slice %arg11[%dma_start3A_403] : memref<2048xi32, #tpu.memory_space<vmem>> -> memref<400xi32, #tpu.memory_space<vmem>>
      %dma_start3A_405 = tpu.memref_slice %arg3[%dma_start3A_402, %add3A_401] : memref<5x204800xi32, #tpu.memory_space<hbm>> -> memref<1x400xi32, #tpu.memory_space<hbm>>
      %dma_start3A_406 = tpu.memref_squeeze %dma_start3A_405 : memref<1x400xi32, #tpu.memory_space<hbm>> -> memref<400xi32, #tpu.memory_space<hbm>>
      %dma_start3A_407 = arith.constant 800 : i32
      %dma_start3A_408 = tpu.memref_slice %arg11[%dma_start3A_407] : memref<2048xi32, #tpu.memory_space<vmem>> -> memref<400xi32, #tpu.memory_space<vmem>>
      %dma_start3A_409 = tpu.memref_slice %arg3[%dma_start3A_402, %add3A_401] : memref<5x204800xi32, #tpu.memory_space<hbm>> -> memref<1x400xi32, #tpu.memory_space<hbm>>
      %dma_start3A_410 = tpu.memref_squeeze %dma_start3A_409 : memref<1x400xi32, #tpu.memory_space<hbm>> -> memref<400xi32, #tpu.memory_space<hbm>>
      tpu.enqueue_dma source(%dma_start3A_410 : memref<400xi32, #tpu.memory_space<hbm>>) target(%dma_start3A_408 : memref<400xi32, #tpu.memory_space<vmem>>) target_semaphore(%arg14 : memref<!tpu.dma_semaphore, #tpu.memory_space<semaphore_mem>>)
      %add3A_411 = arith.addi %mul3A_4, %mul3A_380 : i32
      %dma_start3A_412 = arith.constant 3 : i32
      %dma_start3A_413 = arith.constant 1200 : i32
      %dma_start3A_414 = tpu.memref_slice %arg11[%dma_start3A_413] : memref<2048xi32, #tpu.memory_space<vmem>> -> memref<400xi32, #tpu.memory_space<vmem>>
      %dma_start3A_415 = tpu.memref_slice %arg3[%dma_start3A_412, %add3A_411] : memref<5x204800xi32, #tpu.memory_space<hbm>> -> memref<1x400xi32, #tpu.memory_space<hbm>>
      %dma_start3A_416 = tpu.memref_squeeze %dma_start3A_415 : memref<1x400xi32, #tpu.memory_space<hbm>> -> memref<400xi32, #tpu.memory_space<hbm>>
      %dma_start3A_417 = arith.constant 1200 : i32
      %dma_start3A_418 = tpu.memref_slice %arg11[%dma_start3A_417] : memref<2048xi32, #tpu.memory_space<vmem>> -> memref<400xi32, #tpu.memory_space<vmem>>
      %dma_start3A_419 = tpu.memref_slice %arg3[%dma_start3A_412, %add3A_411] : memref<5x204800xi32, #tpu.memory_space<hbm>> -> memref<1x400xi32, #tpu.memory_space<hbm>>
      %dma_start3A_420 = tpu.memref_squeeze %dma_start3A_419 : memref<1x400xi32, #tpu.memory_space<hbm>> -> memref<400xi32, #tpu.memory_space<hbm>>
      tpu.enqueue_dma source(%dma_start3A_420 : memref<400xi32, #tpu.memory_space<hbm>>) target(%dma_start3A_418 : memref<400xi32, #tpu.memory_space<vmem>>) target_semaphore(%arg14 : memref<!tpu.dma_semaphore, #tpu.memory_space<semaphore_mem>>)
      %add3A_421 = arith.addi %mul3A_4, %mul3A_380 : i32
      %dma_start3A_422 = arith.constant 4 : i32
      %dma_start3A_423 = arith.constant 1600 : i32
      %dma_start3A_424 = tpu.memref_slice %arg11[%dma_start3A_423] : memref<2048xi32, #tpu.memory_space<vmem>> -> memref<400xi32, #tpu.memory_space<vmem>>
      %dma_start3A_425 = tpu.memref_slice %arg3[%dma_start3A_422, %add3A_421] : memref<5x204800xi32, #tpu.memory_space<hbm>> -> memref<1x400xi32, #tpu.memory_space<hbm>>
      %dma_start3A_426 = tpu.memref_squeeze %dma_start3A_425 : memref<1x400xi32, #tpu.memory_space<hbm>> -> memref<400xi32, #tpu.memory_space<hbm>>
      %dma_start3A_427 = arith.constant 1600 : i32
      %dma_start3A_428 = tpu.memref_slice %arg11[%dma_start3A_427] : memref<2048xi32, #tpu.memory_space<vmem>> -> memref<400xi32, #tpu.memory_space<vmem>>
      %dma_start3A_429 = tpu.memref_slice %arg3[%dma_start3A_422, %add3A_421] : memref<5x204800xi32, #tpu.memory_space<hbm>> -> memref<1x400xi32, #tpu.memory_space<hbm>>
      %dma_start3A_430 = tpu.memref_squeeze %dma_start3A_429 : memref<1x400xi32, #tpu.memory_space<hbm>> -> memref<400xi32, #tpu.memory_space<hbm>>
      tpu.enqueue_dma source(%dma_start3A_430 : memref<400xi32, #tpu.memory_space<hbm>>) target(%dma_start3A_428 : memref<400xi32, #tpu.memory_space<vmem>>) target_semaphore(%arg14 : memref<!tpu.dma_semaphore, #tpu.memory_space<semaphore_mem>>)
      %dma_wait3A_431 = arith.constant 0 : i32
      %dma_wait3A_432 = arith.constant 0 : i32
      %dma_wait3A_433 = tpu.memref_slice %arg11[%dma_wait3A_432] : memref<2048xi32, #tpu.memory_space<vmem>> -> memref<400xi32, #tpu.memory_space<vmem>>
      %dma_wait3A_434 = tpu.memref_slice %arg3[%dma_wait3A_431, %add3A_381] : memref<5x204800xi32, #tpu.memory_space<hbm>> -> memref<1x400xi32, #tpu.memory_space<hbm>>
      %dma_wait3A_435 = tpu.memref_squeeze %dma_wait3A_434 : memref<1x400xi32, #tpu.memory_space<hbm>> -> memref<400xi32, #tpu.memory_space<hbm>>
      %dma_wait3A_436 = arith.constant 0 : i32
      %dma_wait3A_437 = tpu.memref_slice %arg11[%dma_wait3A_436] : memref<2048xi32, #tpu.memory_space<vmem>> -> memref<400xi32, #tpu.memory_space<vmem>>
      %dma_wait3A_438 = tpu.memref_slice %arg3[%dma_wait3A_431, %add3A_381] : memref<5x204800xi32, #tpu.memory_space<hbm>> -> memref<1x400xi32, #tpu.memory_space<hbm>>
      %dma_wait3A_439 = tpu.memref_squeeze %dma_wait3A_438 : memref<1x400xi32, #tpu.memory_space<hbm>> -> memref<400xi32, #tpu.memory_space<hbm>>
      tpu.wait_dma2 semaphore(%arg14 : memref<!tpu.dma_semaphore, #tpu.memory_space<semaphore_mem>>) src(%dma_wait3A_439 : memref<400xi32, #tpu.memory_space<hbm>>) dst(%dma_wait3A_437 : memref<400xi32, #tpu.memory_space<vmem>>)
      %dma_wait3A_440 = arith.constant 1 : i32
      %dma_wait3A_441 = arith.constant 400 : i32
      %dma_wait3A_442 = tpu.memref_slice %arg11[%dma_wait3A_441] : memref<2048xi32, #tpu.memory_space<vmem>> -> memref<400xi32, #tpu.memory_space<vmem>>
      %dma_wait3A_443 = tpu.memref_slice %arg3[%dma_wait3A_440, %add3A_391] : memref<5x204800xi32, #tpu.memory_space<hbm>> -> memref<1x400xi32, #tpu.memory_space<hbm>>
      %dma_wait3A_444 = tpu.memref_squeeze %dma_wait3A_443 : memref<1x400xi32, #tpu.memory_space<hbm>> -> memref<400xi32, #tpu.memory_space<hbm>>
      %dma_wait3A_445 = arith.constant 400 : i32
      %dma_wait3A_446 = tpu.memref_slice %arg11[%dma_wait3A_445] : memref<2048xi32, #tpu.memory_space<vmem>> -> memref<400xi32, #tpu.memory_space<vmem>>
      %dma_wait3A_447 = tpu.memref_slice %arg3[%dma_wait3A_440, %add3A_391] : memref<5x204800xi32, #tpu.memory_space<hbm>> -> memref<1x400xi32, #tpu.memory_space<hbm>>
      %dma_wait3A_448 = tpu.memref_squeeze %dma_wait3A_447 : memref<1x400xi32, #tpu.memory_space<hbm>> -> memref<400xi32, #tpu.memory_space<hbm>>
      tpu.wait_dma2 semaphore(%arg14 : memref<!tpu.dma_semaphore, #tpu.memory_space<semaphore_mem>>) src(%dma_wait3A_448 : memref<400xi32, #tpu.memory_space<hbm>>) dst(%dma_wait3A_446 : memref<400xi32, #tpu.memory_space<vmem>>)
      %dma_wait3A_449 = arith.constant 2 : i32
      %dma_wait3A_450 = arith.constant 800 : i32
      %dma_wait3A_451 = tpu.memref_slice %arg11[%dma_wait3A_450] : memref<2048xi32, #tpu.memory_space<vmem>> -> memref<400xi32, #tpu.memory_space<vmem>>
      %dma_wait3A_452 = tpu.memref_slice %arg3[%dma_wait3A_449, %add3A_401] : memref<5x204800xi32, #tpu.memory_space<hbm>> -> memref<1x400xi32, #tpu.memory_space<hbm>>
      %dma_wait3A_453 = tpu.memref_squeeze %dma_wait3A_452 : memref<1x400xi32, #tpu.memory_space<hbm>> -> memref<400xi32, #tpu.memory_space<hbm>>
      %dma_wait3A_454 = arith.constant 800 : i32
      %dma_wait3A_455 = tpu.memref_slice %arg11[%dma_wait3A_454] : memref<2048xi32, #tpu.memory_space<vmem>> -> memref<400xi32, #tpu.memory_space<vmem>>
      %dma_wait3A_456 = tpu.memref_slice %arg3[%dma_wait3A_449, %add3A_401] : memref<5x204800xi32, #tpu.memory_space<hbm>> -> memref<1x400xi32, #tpu.memory_space<hbm>>
      %dma_wait3A_457 = tpu.memref_squeeze %dma_wait3A_456 : memref<1x400xi32, #tpu.memory_space<hbm>> -> memref<400xi32, #tpu.memory_space<hbm>>
      tpu.wait_dma2 semaphore(%arg14 : memref<!tpu.dma_semaphore, #tpu.memory_space<semaphore_mem>>) src(%dma_wait3A_457 : memref<400xi32, #tpu.memory_space<hbm>>) dst(%dma_wait3A_455 : memref<400xi32, #tpu.memory_space<vmem>>)
      %dma_wait3A_458 = arith.constant 3 : i32
      %dma_wait3A_459 = arith.constant 1200 : i32
      %dma_wait3A_460 = tpu.memref_slice %arg11[%dma_wait3A_459] : memref<2048xi32, #tpu.memory_space<vmem>> -> memref<400xi32, #tpu.memory_space<vmem>>
      %dma_wait3A_461 = tpu.memref_slice %arg3[%dma_wait3A_458, %add3A_411] : memref<5x204800xi32, #tpu.memory_space<hbm>> -> memref<1x400xi32, #tpu.memory_space<hbm>>
      %dma_wait3A_462 = tpu.memref_squeeze %dma_wait3A_461 : memref<1x400xi32, #tpu.memory_space<hbm>> -> memref<400xi32, #tpu.memory_space<hbm>>
      %dma_wait3A_463 = arith.constant 1200 : i32
      %dma_wait3A_464 = tpu.memref_slice %arg11[%dma_wait3A_463] : memref<2048xi32, #tpu.memory_space<vmem>> -> memref<400xi32, #tpu.memory_space<vmem>>
      %dma_wait3A_465 = tpu.memref_slice %arg3[%dma_wait3A_458, %add3A_411] : memref<5x204800xi32, #tpu.memory_space<hbm>> -> memref<1x400xi32, #tpu.memory_space<hbm>>
      %dma_wait3A_466 = tpu.memref_squeeze %dma_wait3A_465 : memref<1x400xi32, #tpu.memory_space<hbm>> -> memref<400xi32, #tpu.memory_space<hbm>>
      tpu.wait_dma2 semaphore(%arg14 : memref<!tpu.dma_semaphore, #tpu.memory_space<semaphore_mem>>) src(%dma_wait3A_466 : memref<400xi32, #tpu.memory_space<hbm>>) dst(%dma_wait3A_464 : memref<400xi32, #tpu.memory_space<vmem>>)
      %dma_wait3A_467 = arith.constant 4 : i32
      %dma_wait3A_468 = arith.constant 1600 : i32
      %dma_wait3A_469 = tpu.memref_slice %arg11[%dma_wait3A_468] : memref<2048xi32, #tpu.memory_space<vmem>> -> memref<400xi32, #tpu.memory_space<vmem>>
      %dma_wait3A_470 = tpu.memref_slice %arg3[%dma_wait3A_467, %add3A_421] : memref<5x204800xi32, #tpu.memory_space<hbm>> -> memref<1x400xi32, #tpu.memory_space<hbm>>
      %dma_wait3A_471 = tpu.memref_squeeze %dma_wait3A_470 : memref<1x400xi32, #tpu.memory_space<hbm>> -> memref<400xi32, #tpu.memory_space<hbm>>
      %dma_wait3A_472 = arith.constant 1600 : i32
      %dma_wait3A_473 = tpu.memref_slice %arg11[%dma_wait3A_472] : memref<2048xi32, #tpu.memory_space<vmem>> -> memref<400xi32, #tpu.memory_space<vmem>>
      %dma_wait3A_474 = tpu.memref_slice %arg3[%dma_wait3A_467, %add3A_421] : memref<5x204800xi32, #tpu.memory_space<hbm>> -> memref<1x400xi32, #tpu.memory_space<hbm>>
      %dma_wait3A_475 = tpu.memref_squeeze %dma_wait3A_474 : memref<1x400xi32, #tpu.memory_space<hbm>> -> memref<400xi32, #tpu.memory_space<hbm>>
      tpu.wait_dma2 semaphore(%arg14 : memref<!tpu.dma_semaphore, #tpu.memory_space<semaphore_mem>>) src(%dma_wait3A_475 : memref<400xi32, #tpu.memory_space<hbm>>) dst(%dma_wait3A_473 : memref<400xi32, #tpu.memory_space<vmem>>)
      %scan3A_476 = arith.constant 0 : i32
      %scan3A_477 = arith.constant 0 : i32
      %scan3A_478 = arith.constant 128 : i32
      %scan3A_479 = arith.addi %scan3A_477, %scan3A_478 : i32
      %scan3A_480 = arith.constant 1 : i32
      scf.for %scan3A_517 = %scan3A_477 to %scan3A_479 step %scan3A_480  : i32 {
        %mul3A_518 = arith.constant 16 : i32
        %mul3A_519 = arith.muli %scan3A_517, %mul3A_518 : i32
        %add3A_520 = vector.broadcast %mul3A_519 : i32 to vector<16xi32>
        %add3A_521 = arith.addi %add3A_520, %iota3A : vector<16xi32>
        %jit3A = arith.constant 5 : i32
        %div3A = vector.broadcast %jit3A : i32 to vector<16xi32>
        %div3A_522 = arith.divsi %add3A_521, %div3A : vector<16xi32>
        %sign3A = arith.constant 0 : i32
        %sign3A_523 = vector.broadcast %sign3A : i32 to vector<16xi32>
        %sign3A_524 = arith.cmpi sgt, %add3A_521, %sign3A_523 : vector<16xi32>
        %sign3A_525 = arith.extui %sign3A_524 : vector<16xi1> to vector<16xi32>
        %sign3A_526 = arith.constant 0 : i32
        %sign3A_527 = vector.broadcast %sign3A_526 : i32 to vector<16xi32>
        %sign3A_528 = arith.cmpi slt, %add3A_521, %sign3A_527 : vector<16xi32>
        %sign3A_529 = arith.extui %sign3A_528 : vector<16xi1> to vector<16xi32>
        %sign3A_530 = arith.subi %sign3A_525, %sign3A_529 : vector<16xi32>
        %sign3A_531 = arith.constant 0 : i32
        %sign3A_532 = arith.cmpi sgt, %jit3A, %sign3A_531 : i32
        %sign3A_533 = arith.extui %sign3A_532 : i1 to i32
        %sign3A_534 = arith.constant 0 : i32
        %sign3A_535 = arith.cmpi slt, %jit3A, %sign3A_534 : i32
        %sign3A_536 = arith.extui %sign3A_535 : i1 to i32
        %sign3A_537 = arith.subi %sign3A_533, %sign3A_536 : i32
        %ne3A = vector.broadcast %sign3A_537 : i32 to vector<16xi32>
        %ne3A_538 = arith.cmpi ne, %sign3A_530, %ne3A : vector<16xi32>
        %rem3A = vector.broadcast %jit3A : i32 to vector<16xi32>
        %rem3A_539 = arith.remsi %add3A_521, %rem3A : vector<16xi32>
        %ne3A_540 = arith.constant 0 : i32
        %ne3A_541 = vector.broadcast %ne3A_540 : i32 to vector<16xi32>
        %ne3A_542 = arith.cmpi ne, %rem3A_539, %ne3A_541 : vector<16xi32>
        %and3A = arith.andi %ne3A_538, %ne3A_542 : vector<16xi1>
        %sub3A = arith.constant 1 : i32
        %sub3A_543 = vector.broadcast %sub3A : i32 to vector<16xi32>
        %sub3A_544 = arith.subi %div3A_522, %sub3A_543 : vector<16xi32>
        %select_n3A = arith.select %and3A, %sub3A_544, %div3A_522 : vector<16xi1>, vector<16xi32>
        %min3A = arith.constant 399 : i32
        %min3A_545 = vector.broadcast %min3A : i32 to vector<16xi32>
        %min3A_546 = arith.minsi %select_n3A, %min3A_545 : vector<16xi32>
        %jit3A_547 = arith.constant 5 : i32
        %eq3A = arith.constant 0 : i32
        %eq3A_548 = arith.cmpi eq, %jit3A_547, %eq3A : i32
        %jit3A_549 = arith.constant 1 : i32
        %select_n3A_550 = arith.select %eq3A_548, %jit3A_549, %jit3A_547 : i32
        %rem3A_551 = vector.broadcast %select_n3A_550 : i32 to vector<16xi32>
        %rem3A_552 = arith.remsi %add3A_521, %rem3A_551 : vector<16xi32>
        %ne3A_553 = arith.constant 0 : i32
        %ne3A_554 = vector.broadcast %ne3A_553 : i32 to vector<16xi32>
        %ne3A_555 = arith.cmpi ne, %rem3A_552, %ne3A_554 : vector<16xi32>
        %lt3A = arith.constant 0 : i32
        %lt3A_556 = vector.broadcast %lt3A : i32 to vector<16xi32>
        %lt3A_557 = arith.cmpi slt, %rem3A_552, %lt3A_556 : vector<16xi32>
        %lt3A_558 = arith.constant 0 : i32
        %lt3A_559 = arith.cmpi slt, %select_n3A_550, %lt3A_558 : i32
        %ne3A_560 = vector.broadcast %lt3A_559 : i1 to vector<16xi1>
        %ne3A_561 = vector.broadcast %ne3A_560 : vector<16xi1> to vector<16xi1>
        %ne3A_562 = arith.xori %lt3A_557, %ne3A_561 : vector<16xi1>
        %and3A_563 = arith.andi %ne3A_562, %ne3A_555 : vector<16xi1>
        %add3A_564 = vector.broadcast %select_n3A_550 : i32 to vector<16xi32>
        %add3A_565 = arith.addi %rem3A_552, %add3A_564 : vector<16xi32>
        %select_n3A_566 = arith.select %and3A_563, %add3A_565, %rem3A_552 : vector<16xi1>, vector<16xi32>
        %mul3A_567 = arith.constant 400 : i32
        %mul3A_568 = vector.broadcast %mul3A_567 : i32 to vector<16xi32>
        %mul3A_569 = arith.muli %select_n3A_566, %mul3A_568 : vector<16xi32>
        %add3A_570 = arith.addi %mul3A_569, %min3A_546 : vector<16xi32>
        %gather3A = tpu.vector_load_idx %arg11[%add3A_570] : memref<2048xi32, #tpu.memory_space<vmem>>[vector<16xi32>], vector<16xi32>,
        %mul3A_571 = arith.constant 100000 : i32
        %mul3A_572 = vector.broadcast %mul3A_571 : i32 to vector<16xi32>
        %mul3A_573 = arith.muli %select_n3A_566, %mul3A_572 : vector<16xi32>
        %add3A_574 = arith.addi %mul3A_573, %gather3A : vector<16xi32>
        %jit3A_575 = arith.constant 8 : i32
        %div3A_576 = arith.divsi %scan3A_517, %jit3A_575 : i32
        %sign3A_577 = arith.constant 0 : i32
        %sign3A_578 = arith.cmpi sgt, %scan3A_517, %sign3A_577 : i32
        %sign3A_579 = arith.extui %sign3A_578 : i1 to i32
        %sign3A_580 = arith.constant 0 : i32
        %sign3A_581 = arith.cmpi slt, %scan3A_517, %sign3A_580 : i32
        %sign3A_582 = arith.extui %sign3A_581 : i1 to i32
        %sign3A_583 = arith.subi %sign3A_579, %sign3A_582 : i32
        %sign3A_584 = arith.constant 0 : i32
        %sign3A_585 = arith.cmpi sgt, %jit3A_575, %sign3A_584 : i32
        %sign3A_586 = arith.extui %sign3A_585 : i1 to i32
        %sign3A_587 = arith.constant 0 : i32
        %sign3A_588 = arith.cmpi slt, %jit3A_575, %sign3A_587 : i32
        %sign3A_589 = arith.extui %sign3A_588 : i1 to i32
        %sign3A_590 = arith.subi %sign3A_586, %sign3A_589 : i32
        %ne3A_591 = arith.cmpi ne, %sign3A_583, %sign3A_590 : i32
        %rem3A_592 = arith.remsi %scan3A_517, %jit3A_575 : i32
        %ne3A_593 = arith.constant 0 : i32
        %ne3A_594 = arith.cmpi ne, %rem3A_592, %ne3A_593 : i32
        %and3A_595 = arith.andi %ne3A_591, %ne3A_594 : i1
        %sub3A_596 = arith.constant 1 : i32
        %sub3A_597 = arith.subi %div3A_576, %sub3A_596 : i32
        %select_n3A_598 = arith.select %and3A_595, %sub3A_597, %div3A_576 : i32
        %jit3A_599 = arith.constant 8 : i32
        %eq3A_600 = arith.constant 0 : i32
        %eq3A_601 = arith.cmpi eq, %jit3A_599, %eq3A_600 : i32
        %jit3A_602 = arith.constant 1 : i32
        %select_n3A_603 = arith.select %eq3A_601, %jit3A_602, %jit3A_599 : i32
        %rem3A_604 = arith.remsi %scan3A_517, %select_n3A_603 : i32
        %ne3A_605 = arith.constant 0 : i32
        %ne3A_606 = arith.cmpi ne, %rem3A_604, %ne3A_605 : i32
        %lt3A_607 = arith.constant 0 : i32
        %lt3A_608 = arith.cmpi slt, %rem3A_604, %lt3A_607 : i32
        %lt3A_609 = arith.constant 0 : i32
        %lt3A_610 = arith.cmpi slt, %select_n3A_603, %lt3A_609 : i32
        %ne3A_611 = arith.xori %lt3A_608, %lt3A_610 : i1
        %and3A_612 = arith.andi %ne3A_611, %ne3A_606 : i1
        %add3A_613 = arith.addi %rem3A_604, %select_n3A_603 : i32
        %select_n3A_614 = arith.select %and3A_612, %add3A_613, %rem3A_604 : i32
        %mul3A_615 = arith.constant 16 : i32
        %mul3A_616 = arith.muli %select_n3A_614, %mul3A_615 : i32
        %swap3A = arith.index_cast %select_n3A_598 : i32 to index
        %swap3A_617 = arith.index_cast %mul3A_616 : i32 to index
        %swap3A_618 = tpu.vector_load %arg12[%swap3A, %swap3A_617] {strides = array<i32>} : memref<16x128xi32, #tpu.memory_space<vmem>>, vector<16xi32>,
        tpu.vector_store %arg12[%swap3A, %swap3A_617], %add3A_574 {strides = array<i32>} : memref<16x128xi32, #tpu.memory_space<vmem>>, vector<16xi32>,
      }
      %scan3A_481 = arith.constant 128 : i32
      %scan3A_482 = arith.constant 0 : i32
      %scan3A_483 = arith.constant 0 : i32
      %scan3A_484 = arith.constant 16 : i32
      %scan3A_485 = arith.addi %scan3A_483, %scan3A_484 : i32
      %scan3A_486 = arith.constant 1 : i32
      scf.for %scan3A_517 = %scan3A_483 to %scan3A_485 step %scan3A_486  : i32 {
        %mul3A_518 = arith.constant 128 : i32
        %mul3A_519 = arith.muli %scan3A_517, %mul3A_518 : i32
        %dma_start3A_520 = arith.constant 0 : i32
        %dma_start3A_521 = tpu.memref_slice %arg13[%mul3A_519, %dma_start3A_520] : memref<2048x16xf32, #tpu.memory_space<vmem>> -> memref<128x16xf32, #tpu.memory_space<vmem>>
        %dma_start3A_522 = arith.constant 0 : i32
        %dma_start3A_523 = tpu.memref_slice %arg12[%scan3A_517, %dma_start3A_522] : memref<16x128xi32, #tpu.memory_space<vmem>> -> memref<1x128xi32, #tpu.memory_space<vmem>>
        %dma_start3A_524 = tpu.memref_squeeze %dma_start3A_523 : memref<1x128xi32, #tpu.memory_space<vmem>> -> memref<128xi32, #tpu.memory_space<vmem>>
        %dma_start3A_525 = arith.constant 0 : i32
        %dma_start3A_526 = arith.constant 0 : i32
        %dma_start3A_527 = tpu.memref_slice %arg5[%dma_start3A_525, %dma_start3A_526] : memref<500000x16xf32, #tpu.memory_space<hbm>> -> memref<500000x16xf32, #tpu.memory_space<hbm>>
        tpu.enqueue_indirect_dma source(%dma_start3A_527 : memref<500000x16xf32, #tpu.memory_space<hbm>>) target(%dma_start3A_521 : memref<128x16xf32, #tpu.memory_space<vmem>>) offsets(%dma_start3A_524 : memref<128xi32, #tpu.memory_space<vmem>>) semaphore(%arg14 : memref<!tpu.dma_semaphore, #tpu.memory_space<semaphore_mem>>)
      }
      %scan3A_487 = arith.constant 16 : i32
      %dma_wait3A_488 = arith.constant 0 : i32
      %dma_wait3A_489 = arith.constant 0 : i32
      %dma_wait3A_490 = tpu.memref_slice %arg5[%dma_wait3A_488, %dma_wait3A_489] : memref<500000x16xf32, #tpu.memory_space<hbm>> -> memref<2048x16xf32, #tpu.memory_space<hbm>>
      %dma_wait3A_491 = arith.constant 0 : i32
      %dma_wait3A_492 = arith.constant 0 : i32
      %dma_wait3A_493 = tpu.memref_slice %arg5[%dma_wait3A_491, %dma_wait3A_492] : memref<500000x16xf32, #tpu.memory_space<hbm>> -> memref<2048x16xf32, #tpu.memory_space<hbm>>
      tpu.wait_dma2 semaphore(%arg14 : memref<!tpu.dma_semaphore, #tpu.memory_space<semaphore_mem>>) src(%dma_wait3A_493 : memref<2048x16xf32, #tpu.memory_space<hbm>>) dst(%arg13 : memref<2048x16xf32, #tpu.memory_space<vmem>>)
      %add3A_494 = arith.addi %mul3A_4, %mul3A_380 : i32
      %mul3A_495 = arith.constant 5 : i32
      %mul3A_496 = arith.muli %add3A_494, %mul3A_495 : i32
      %dma_start3A_497 = arith.constant 0 : i32
      %dma_start3A_498 = arith.constant 0 : i32
      %dma_start3A_499 = tpu.memref_slice %arg13[%dma_start3A_497, %dma_start3A_498] : memref<2048x16xf32, #tpu.memory_space<vmem>> -> memref<2000x16xf32, #tpu.memory_space<vmem>>
      %dma_start3A_500 = arith.constant 0 : i32
      %dma_start3A_501 = tpu.memref_slice %arg7[%mul3A_496, %dma_start3A_500] : memref<1024000x16xf32, #tpu.memory_space<hbm>> -> memref<2000x16xf32, #tpu.memory_space<hbm>>
      %dma_start3A_502 = arith.constant 0 : i32
      %dma_start3A_503 = tpu.memref_slice %arg7[%mul3A_496, %dma_start3A_502] : memref<1024000x16xf32, #tpu.memory_space<hbm>> -> memref<2000x16xf32, #tpu.memory_space<hbm>>
      %dma_start3A_504 = arith.constant 0 : i32
      %dma_start3A_505 = arith.constant 0 : i32
      %dma_start3A_506 = tpu.memref_slice %arg13[%dma_start3A_504, %dma_start3A_505] : memref<2048x16xf32, #tpu.memory_space<vmem>> -> memref<2000x16xf32, #tpu.memory_space<vmem>>
      tpu.enqueue_dma source(%dma_start3A_506 : memref<2000x16xf32, #tpu.memory_space<vmem>>) target(%dma_start3A_503 : memref<2000x16xf32, #tpu.memory_space<hbm>>) target_semaphore(%arg14 : memref<!tpu.dma_semaphore, #tpu.memory_space<semaphore_mem>>)
      %dma_wait3A_507 = arith.constant 0 : i32
      %dma_wait3A_508 = arith.constant 0 : i32
      %dma_wait3A_509 = tpu.memref_slice %arg13[%dma_wait3A_507, %dma_wait3A_508] : memref<2048x16xf32, #tpu.memory_space<vmem>> -> memref<2000x16xf32, #tpu.memory_space<vmem>>
      %dma_wait3A_510 = arith.constant 0 : i32
      %dma_wait3A_511 = tpu.memref_slice %arg7[%mul3A_496, %dma_wait3A_510] : memref<1024000x16xf32, #tpu.memory_space<hbm>> -> memref<2000x16xf32, #tpu.memory_space<hbm>>
      %dma_wait3A_512 = arith.constant 0 : i32
      %dma_wait3A_513 = tpu.memref_slice %arg7[%mul3A_496, %dma_wait3A_512] : memref<1024000x16xf32, #tpu.memory_space<hbm>> -> memref<2000x16xf32, #tpu.memory_space<hbm>>
      %dma_wait3A_514 = arith.constant 0 : i32
      %dma_wait3A_515 = arith.constant 0 : i32
      %dma_wait3A_516 = tpu.memref_slice %arg13[%dma_wait3A_514, %dma_wait3A_515] : memref<2048x16xf32, #tpu.memory_space<vmem>> -> memref<2000x16xf32, #tpu.memory_space<vmem>>
      tpu.wait_dma2 semaphore(%arg14 : memref<!tpu.dma_semaphore, #tpu.memory_space<semaphore_mem>>) src(%dma_wait3A_516 : memref<2000x16xf32, #tpu.memory_space<vmem>>) dst(%dma_wait3A_513 : memref<2000x16xf32, #tpu.memory_space<hbm>>)
    }
    %scan3A_377 = arith.constant 16 : i32
    return
  }
}

module attributes {stable_mosaic.version = 14 : i64} {
  func.func @body(%arg0: i32, %arg1: memref<4096x416xf32, #tpu.memory_space<vmem>>, %arg2: memref<4096x4xf32, #tpu.memory_space<vmem>>, %arg3: memref<2x4096x80xf32, #tpu.memory_space<vmem>>, %arg4: memref<2x8x4096xf32, #tpu.memory_space<vmem>>, %arg5: memref<2x4096x508xf32, #tpu.memory_space<vmem>>) attributes {dimension_semantics = [#tpu.dimension_semantics<arbitrary>], iteration_bounds = array<i64: 25>, scalar_prefetch = 0 : i64, scratch_operands = 0 : i64, tpu.core_type = #tpu.core_type<tc>, window_params = [{pipeline_mode = #tpu.pipeline_mode<synchronous>, transform_indices = @transform_0, window_bounds = array<i64: 4096, 416>}, {pipeline_mode = #tpu.pipeline_mode<synchronous>, transform_indices = @transform_1, window_bounds = array<i64: 4096, 4>}, {transform_indices = @transform_2, window_bounds = array<i64: 2, 4096, 80>}, {transform_indices = @transform_3, window_bounds = array<i64: 2, 8, 4096>}, {transform_indices = @transform_4, window_bounds = array<i64: 2, 4096, 508>}]} {
    %get3A = arith.constant 0 : index
    %get3A_0 = arith.constant 0 : index
    %get3A_1 = vector.load %arg1[%get3A, %get3A_0] : memref<4096x416xf32, #tpu.memory_space<vmem>>, vector<4096x416xf32>
    %get3A_2 = arith.constant 0 : index
    %get3A_3 = arith.constant 0 : index
    %get3A_4 = vector.load %arg2[%get3A_2, %get3A_3] : memref<4096x4xf32, #tpu.memory_space<vmem>>, vector<4096x4xf32>
    %concatenate3A = tpu.concatenate %get3A_1, %get3A_4 in 1 : vector<4096x416xf32>, vector<4096x4xf32> -> vector<4096x420xf32>
    %broadcast_in_dim3A = vector.shape_cast %concatenate3A : vector<4096x420xf32> to vector<1x4096x420xf32>
    %broadcast_in_dim3A_5 = vector.shape_cast %broadcast_in_dim3A : vector<1x4096x420xf32> to vector<1x4096x420xf32>
    %broadcast_in_dim3A_6 = vector.broadcast %broadcast_in_dim3A_5 : vector<1x4096x420xf32> to vector<2x4096x420xf32>
    %get3A_7 = arith.constant 0 : index
    %get3A_8 = arith.constant 0 : index
    %get3A_9 = arith.constant 0 : index
    %get3A_10 = vector.load %arg4[%get3A_7, %get3A_8, %get3A_9] : memref<2x8x4096xf32, #tpu.memory_space<vmem>>, vector<2x8x4096xf32>
    %transpose3A = tpu.transpose %get3A_10, [0, 2, 1] : vector<2x8x4096xf32> -> vector<2x4096x8xf32>
    %get3A_11 = arith.constant 0 : index
    %get3A_12 = arith.constant 0 : index
    %get3A_13 = arith.constant 0 : index
    %get3A_14 = vector.load %arg3[%get3A_11, %get3A_12, %get3A_13] : memref<2x4096x80xf32, #tpu.memory_space<vmem>>, vector<2x4096x80xf32>
    %concatenate3A_15 = tpu.concatenate %broadcast_in_dim3A_6, %get3A_14, %transpose3A in 2 : vector<2x4096x420xf32>, vector<2x4096x80xf32>, vector<2x4096x8xf32> -> vector<2x4096x508xf32>
    %swap3A = arith.constant 0 : index
    %swap3A_16 = arith.constant 0 : index
    %swap3A_17 = arith.constant 0 : index
    %swap3A_18 = vector.load %arg5[%swap3A, %swap3A_16, %swap3A_17] : memref<2x4096x508xf32, #tpu.memory_space<vmem>>, vector<2x4096x508xf32>
    tpu.vector_store %arg5[%swap3A, %swap3A_16, %swap3A_17], %concatenate3A_15 {strides = array<i32>} : memref<2x4096x508xf32, #tpu.memory_space<vmem>>, vector<2x4096x508xf32>,
    return
  }
  func.func @transform_0(%arg0: i32) -> (i32, i32) {
    %c0_i32 = arith.constant 0 : i32
    %c0_i32_0 = arith.constant 0 : i32
    %c0_i32_1 = arith.constant 0 : i32
    return %c0_i32, %c0_i32_0 : i32, i32
  }
  func.func @transform_1(%arg0: i32) -> (i32, i32) {
    %c0_i32 = arith.constant 0 : i32
    %c0_i32_0 = arith.constant 0 : i32
    %c0_i32_1 = arith.constant 0 : i32
    return %c0_i32, %c0_i32_0 : i32, i32
  }
  func.func @transform_2(%arg0: i32) -> (i32, i32, i32) {
    %c0_i32 = arith.constant 0 : i32
    %c0_i32_0 = arith.constant 0 : i32
    %c0_i32_1 = arith.constant 0 : i32
    return %arg0, %c0_i32, %c0_i32_0 : i32, i32, i32
  }
  func.func @transform_3(%arg0: i32) -> (i32, i32, i32) {
    %c0_i32 = arith.constant 0 : i32
    %c0_i32_0 = arith.constant 0 : i32
    %c0_i32_1 = arith.constant 0 : i32
    return %arg0, %c0_i32, %c0_i32_0 : i32, i32, i32
  }
  func.func @transform_4(%arg0: i32) -> (i32, i32, i32) {
    %c0_i32 = arith.constant 0 : i32
    %c0_i32_0 = arith.constant 0 : i32
    %c0_i32_1 = arith.constant 0 : i32
    return %arg0, %c0_i32, %c0_i32_0 : i32, i32, i32
  }
}

</mosaic_0001>

<sc_bundles>
// kernel: kernel.4.cloned.1.call-start
scs
__scs_entry_jumppad:
0x0: {  	(pc) =	sbr.rel $0x88, $3  }
0x1: {  	(tag) =	ssettag $0x0;
	lr =	simm.s32 $0x1  }
0x2: {  	[smem:$0x3F9B] =	sst lr;
	_ =	strace $0xD0000000  }
0x3: {  	_ = 	snop  }
0x4: {  	_ = 	snop  }
0x5: {  	_ = 	snop  }
0x6: {  	_ = 	snop  }
0x7: {  	_ = 	snop  }
__scs_overlays_trampoline_lowered:
0x8: {  	[smem:$0x3FAA] =	sst s0  }
0x9: {  	[smem:$0x3FAB] =	sst s1  }
0xa: {  	[smem:$0x3FAC] =	sst s2  }
0xb: {  	[smem:$0x3FAD] =	sst s3  }
0xc: {  	[smem:$0x3FAE] =	sst s4  }
0xd: {  	[smem:$0x3FAF] =	sst s5  }
0xe: {  	[smem:$0x3FB0] =	sst s6  }
0xf: {  	[smem:$0x3FB1] =	sst s7  }
0x10: {  	[smem:$0x3FB2] =	sst s8  }
0x11: {  	[smem:$0x3FB3] =	sst s9;
	s0 =	simm.s32 @!p0 $0x0  }
0x12: {  	s1 =	sld [smem:$0x3F99];
	s0 =	simm.s32 @p0 $0x1  }
0x13: {  	[smem:$0x3FB4] =	sst s0;
	s0 =	simm.s32 @!p1 $0x0  }
0x14: {  	s2 =	sld [smem:$0x3F98];
	s0 =	simm.s32 @p1 $0x1  }
0x15: {  	[smem:$0x3FB5] =	sst s0;
	s0 =	simm.s32 @!p2 $0x0  }
0x16: {  	s3 =	sld [smem:$0x3FDB];
	s0 =	simm.s32 @p2 $0x1  }
0x17: {  	s4 =	simm.s32 $0x1BF5;
	[smem:$0x3FB7] =	sst s0  }
0x18: {  	s0 =	sld [smem:$0x3F9A];
	_ =	swait.ge [sflag:s4], $0x0  }
0x19: {  	s7 =	sld [smem:$0x3F9B]  }
0x1a: {  	s8 =	sadd.s32 $0xFFFFE003, lr  }
0x1b: {  	s9 =	sadd.s32 $0xFFFFFEF7, lr;
	s5 =	simm.s32 $0xFFFFFFFF;
	p2 =	slt.u32 s8, $0xFFFFF086  }
0x1c: {  	p1 =	slt.u32 s9, $0xF7A;
	s5 =	simm.s32 @!p2 $0x0  }
0x1d: {  	s5 =	simm.s32 @p1 $0x1;
	p0 =	seq.s32 s7, s2  }
0x1e: {  	s7 =	smul.u32 @!p0 $0xF7A, s2;
	p2 =	seq.s32 @!p0 s5, $0x0  }
0x1f: {  	s9 =	smul.u32 $0xF7A, s1;
	s8 =	simm.s32 @!p0 $0x1BF5;
	p2 =	por !p2, p0  }
0x20: {  	[sflag:s8] =	ssyncset.s32 @!p0 $0xFFFFF086;
	s6 =	sadd.s32 @!p0 s3, s7;
	s7 =	simm.s32 @!p0 $0x108  }
0x21: {  	s3 =	sadd.s32 s3, s9;
	s6 =	sadd.s32 @!p0 $0x88, s6;
	s7 =	simm.s32 @p2 $0x1082  }
0x22: {  	[simem:s7], [sflag:s8] =	dma.local @!p0 [hbm:s6], $0xF7A  }
0x23: {  	s9 =	sor.u32 $0xD0000000, s2;
	s6 =	simm.s32 $0x108;
	_ =	swait.ge @!p0 [sflag:s8], $0x0  }
0x24: {  	s3 =	sadd.s32 $0x88, s3;
	s6 =	simm.s32 @!p1 $0x1082;
	[sflag:s4] =	ssyncset.s32 $0xFFFFF086  }
0x25: {  	[simem:s6], [sflag:s4] =	dma.local [hbm:s3], $0xF7A  }
0x26: {  	[smem:$0x3F9B] =	sst s1;
	(tag) =	ssettag s2;
	_ =	strace s9  }
0x27: {  	s1 =	sld [smem:$0x3FAB]  }
0x28: {  	s2 =	sld [smem:$0x3FAC]  }
0x29: {  	s4 =	sld [smem:$0x3FAE]  }
0x2a: {  	p0 =	seq.s32 s5, $0x0;
	s5 =	sld [smem:$0x3FAF]  }
0x2b: {  	s6 =	sld [smem:$0x3FB0]  }
0x2c: {  	s7 =	sld [smem:$0x3FB1]  }
0x2d: {  	s3 =	simm.s32 $0x108;
	s8 =	sld [smem:$0x3FB2]  }
0x2e: {  	s3 =	simm.s32 @!p0 $0x1082;
	s9 =	sld [smem:$0x3FB3]  }
0x2f: {  	lr =	sadd.s32 s0, s3;
	s0 =	sld [smem:$0x3FAA]  }
0x30: {  	s3 =	sld [smem:$0x3FAD]  }
0x31: {  	[smem:$0x3FB6] =	sst s10  }
0x32: {  	s10 =	sld [smem:$0x3FB4];
	_ =	sdelay $0x3  }
0x33: {  	p0 =	seq.s32 s10, $0x1;
	s10 =	sld [smem:$0x3FB6];
	_ =	sdelay $0x3  }
0x34: {  	[smem:$0x3FB6] =	sst s10  }
0x35: {  	s10 =	sld [smem:$0x3FB5];
	_ =	sdelay $0x3  }
0x36: {  	p1 =	seq.s32 s10, $0x1;
	s10 =	sld [smem:$0x3FB6];
	_ =	sdelay $0x3  }
0x37: {  	[smem:$0x3FB6] =	sst s10  }
0x38: {  	s10 =	sld [smem:$0x3FB7]  }
0x39: {  	_ = 	snop;
	(pc) =	sbr.ind lr, $3  }
0x3a: {  	_ = 	snop  }
0x3b: {  	_ = 	snop  }
0x3c: {  	p2 =	seq.s32 s10, $0x1;
	s10 =	sld [smem:$0x3FB6]  }
0x3d: {  	_ =	shalt  }
0x3e: {  	_ =	shalt  }
0x3f: {  	_ =	shalt  }
0x40: {  	_ =	shalt  }
0x41: {  	_ =	shalt  }
0x42: {  	_ =	shalt  }
0x43: {  	_ =	shalt  }
0x44: {  	_ =	shalt  }
0x45: {  	_ =	shalt  }
0x46: {  	_ =	shalt  }
0x47: {  	_ =	shalt  }
0x48: {  	_ =	shalt  }
0x49: {  	_ =	shalt  }
0x4a: {  	_ =	shalt  }
0x4b: {  	_ =	shalt  }
0x4c: {  	_ =	shalt  }
0x4d: {  	_ =	shalt  }
0x4e: {  	_ =	shalt  }
0x4f: {  	_ =	shalt  }
0x50: {  	_ =	shalt  }
0x51: {  	_ =	shalt  }
0x52: {  	_ =	shalt  }
0x53: {  	_ =	shalt  }
0x54: {  	_ =	shalt  }
0x55: {  	_ =	shalt  }
0x56: {  	_ =	shalt  }
0x57: {  	_ =	shalt  }
0x58: {  	_ =	shalt  }
0x59: {  	_ =	shalt  }
0x5a: {  	_ =	shalt  }
0x5b: {  	_ =	shalt  }
0x5c: {  	_ =	shalt  }
0x5d: {  	_ =	shalt  }
0x5e: {  	_ =	shalt  }
0x5f: {  	_ =	shalt  }
0x60: {  	_ =	shalt  }
0x61: {  	_ =	shalt  }
0x62: {  	_ =	shalt  }
0x63: {  	_ =	shalt  }
0x64: {  	_ =	shalt  }
0x65: {  	_ =	shalt  }
0x66: {  	_ =	shalt  }
0x67: {  	_ =	shalt  }
0x68: {  	_ =	shalt  }
0x69: {  	_ =	shalt  }
0x6a: {  	_ =	shalt  }
0x6b: {  	_ =	shalt  }
0x6c: {  	_ =	shalt  }
0x6d: {  	_ =	shalt  }
0x6e: {  	_ =	shalt  }
0x6f: {  	_ =	shalt  }
0x70: {  	_ =	shalt  }
0x71: {  	_ =	shalt  }
0x72: {  	_ =	shalt  }
0x73: {  	_ =	shalt  }
0x74: {  	_ =	shalt  }
0x75: {  	_ =	shalt  }
0x76: {  	_ =	shalt  }
0x77: {  	_ =	shalt  }
0x78: {  	_ =	shalt  }
0x79: {  	_ =	shalt  }
0x7a: {  	_ =	shalt  }
0x7b: {  	_ =	shalt  }
0x7c: {  	_ =	shalt  }
0x7d: {  	_ =	shalt  }
0x7e: {  	_ =	shalt  }
0x7f: {  	_ =	shalt  }
0x80: {  	_ =	shalt  }
0x81: {  	_ =	shalt  }
0x82: {  	_ =	shalt  }
0x83: {  	_ =	shalt  }
0x84: {  	_ =	shalt  }
0x85: {  	_ =	shalt  }
0x86: {  	_ =	shalt  }
0x87: {  	_ =	shalt  }
.Lfunc_end0:
.L_simem_size_0:
called_computation_lowered:
.L_overlay_start_0:
0x88: {  	s2 =	sld [smem:$0x3FD9]  }
0x89: {  	s3 =	sld [smem:$0x3FFE];
	_ =	sdelay $0x1  }
0x8a: {  	s1 =	srdreg.scid  }
0x8b: {  	s0 =	sand.u32 $0x1, s1  }
0x8c: {  	s17 =	sshll.u32 s0, $0xA;
	s2 =	sadd.s32 s3, s2  }
0x8d: {  	s2 =	sadd.s32 s2, s17  }
0x8e: {  	[smem:$0x3FC2] =	sst s2  }
0x8f: {  	_ = 	snop  }
0x90: {  	s2 =	sld [smem:$0x3FD0];
	(tm) =	ssettm $0x1  }
0x91: {  	s18 =	sld [smem:$0x3FFB];
	_ =	sdelay $0x3  }
0x92: {  	_ =	strace s18  }
0x93: {  	s3 =	sld [smem:$0x3FFC];
	_ =	sdelay $0x3  }
0x94: {  	_ =	strace s3  }
0x95: {  	s3 =	sld [smem:$0x3FFD];
	_ =	sdelay $0x3  }
0x96: {  	_ =	strace s3  }
0x97: {  	_ =	strace $0x8FFFFFFF  }
0x98: {  	s19 =	sld [smem:$0x3FDB];
	_ =	sdelay $0x1  }
0x99: {  	s4 =	simm.s32 $_scs_section_size  }
0x9a: {  	s5 =	simm.s32 $_size__tile_overlayer_lowered;
	s6 =	simm.s32 $_tile_overlayer_lowered  }
0x9b: {  	s22 =	simm.s32 $0x1BFF;
	s21 =	sshll.u32 s6, $0x1;
	s3 =	sadd.s32 s4, s19  }
0x9c: {  	s7 =	simm.s32 $0x0;
	s20 =	sshll.u32 s5, $0x1;
	s5 =	sadd.s32 s21, s3  }
0x9d: {  	[timem:s7], [sflag:s22] =	dma.local [hbm:s5], s20  }
0x9e: {  	_ =	swait.ge [sflag:s22], s20  }
0x9f: {  	s4 =	ssub.s32 $0x0, s20;
	[sflag:s22] =	ssyncset.done $0x0  }
0xa0: {  	[sflag:s22] =	ssyncadd.s32 s4;
	_ =	sdelay $0x1  }
0xa1: {  	s23 =	simm.s32 $0x1B8B  }
0xa2: {  	_ =	swait.ge [sflag:s23], $0x1  }
0xa3: {  	[sflag:s23] =	ssyncset.done $0x0  }
0xa4: {  	s25 =	simm.s32 $0x1B8E;
	s24 =	sld [smem:$0x3FFE];
	[sflag:s23] =	ssyncadd.s32 $0xFFFFFFFF  }
0xa5: {  	s26 =	simm.s32 $execute0_lowered;
	[smem:$0x3FD2] =	sst s25  }
0xa6: {  	s5 =	sshll.u32 s26, $0x1;
	_ =	strace $0x80000046;
	[dreg:$0x1] =	wrdreg $0xFFFFFFFF  }
0xa7: {  	s28 =	simm.s32 $_size_execute0_lowered;
	s3 =	sadd.s32 s3, s5;
	[dreg:$0x0] =	wrdreg $0x0  }
0xa8: {  	s5 =	sshll.u32 s28, $0x1;
	[dreg:$0x2] =	wrdreg s3  }
0xa9: {  	[dreg:$0x3] =	wrdreg s5  }
0xaa: {  	[dreg:$0x4] =	wrdreg $0xC0  }
0xab: {  	_ =	task [dreg:s7], $0x5FFFF  }
0xac: {  	[dreg:$0x1] =	wrdreg $0xFFFFFFFF  }
0xad: {  	[dreg:$0x0] =	wrdreg $0x60  }
0xae: {  	[dreg:$0x2] =	wrdreg s24  }
0xaf: {  	[dreg:$0x3] =	wrdreg s2  }
0xb0: {  	[dreg:$0x4] =	wrdreg $0x9  }
0xb1: {  	_ =	task.clear_ibuf [dreg:s7], $0x5FFFF;
	_ =	strace $0x90000046  }
0xb2: {  	s29 =	simm.s32 $0x9;
	_ =	strace $0x80000048  }
0xb3: {  	_ =	swait.ge [sflag:s29], $0x1  }
0xb4: {  	[sflag:s29] =	ssyncadd.s32 $0xFFFFFFFF  }
0xb5: {  	_ =	strace $0x90000048  }
0xb6: {  	_ =	sfence  }
0xb7: {  	s30 =	sld [smem:$0x0];
	_ =	sdelay $0x2  }
0xb8: {  	s31 =	sshll.u32 s1, $0xD;
	s1 =	sshrl.u32 s1, $0x2  }
0xb9: {  	s3 =	sand.u32 $0x4000, s31;
	s1 =	sadd.s32 s1, s30  }
0xba: {  	s0 =	sor.u32 s3, s0;
	s1 =	sshll.u32 s1, $0x11  }
0xbb: {  	s0 =	sor.u32 s1, s0  }
0xbc: {  	s0 =	sadd.s32 $0x8F2B, s0  }
0xbd: {  	[sflag:s0] =	ssyncadd.remote.s32 $0x1  }
0xbe: {  	_ =	sfence.sel $0xFFFF  }
0xbf: {  	[dreg:$0x0] =	wrdreg $0xFFFFFFFF;
	(pc) =	sbr.abs _section_cstart, $3  }
0xc0: {  	[dreg:$0x1] =	wrdreg $0xFFFFFFFF  }
0xc1: {  	_ =	task.clear_ibuf [dreg:s7], $0x2FFFF;
	_ =	strace $0x9FFFFFFF  }
0xc2: {  	(tm) =	ssettm $0x7FFFFFFF  }
0xc3: {  	_ =	shalt  }
tec
execute0_lowered:
.L_overlay_start_1:
0x0: {  	(tag) =	ssettag $0x1  }
0x1: {  	s1 =	srdreg.scid;
	s2 =	stileid.u32  }
0x2: {  	s1 =	sand.u32 $0x1, s1;
	s2 =	sshll.u32 s2, $0x1  }
0x3: {  	s2 =	sor.u32 s1, s2  }
0x4: {  	s0 =	rddreg [dreg:$0x0];
	s4 =	sshll.u32 s2, $0x4  }
0x5: {  	s3 =	simm.s32 $0x0;
	s10 =	sadd.s32 s4, s0  }
0x6: {  	[smem:$0x7FF] =	sst s3;
	s5 =	sadd.s32 $0x25200, s0;
	s18 =	sadd.s32 $0x2A00, s10  }
0x7: {  	_ =	strace $0x80000047;
	s19 =	sadd.s32 $0x2C00, s10;
	[dreg:$0x3] =	wrdreg s18  }
0x8: {  	s6 =	sadd.s32 $0x51AC00, s0;
	s20 =	sadd.s32 $0x2E00, s10;
	[dreg:$0x4] =	wrdreg s19  }
0x9: {  	s7 =	sadd.s32 $0x60F000, s0;
	s21 =	sadd.s32 $0x3000, s10;
	[dreg:$0x5] =	wrdreg s20  }
0xa: {  	s1 =	ssub.s32 $0x2, s1;
	s22 =	sadd.s32 $0x3200, s10;
	[dreg:$0x6] =	wrdreg s21  }
0xb: {  	s8 =	sshrl.u32 s1, $0x1;
	s23 =	sadd.s32 $0x3400, s10;
	[dreg:$0x7] =	wrdreg s22  }
0xc: {  	s9 =	smul.u32 $0x1900, s2;
	s24 =	sadd.s32 $0x3600, s10;
	[dreg:$0x8] =	wrdreg s23  }
0xd: {  	s4 =	sadd.s32 $0x5E00, s0;
	s25 =	sadd.s32 $0x3800, s10;
	[dreg:$0x9] =	wrdreg s24  }
0xe: {  	s0 =	ssub.s32 s1, s8;
	s26 =	sadd.s32 $0x3A00, s10;
	[dreg:$0xa] =	wrdreg s25  }
0xf: {  	s8 =	sshll.u32 s2, $0x7;
	s2 =	sadd.s32 $0x3C00, s10;
	[dreg:$0xb] =	wrdreg s26  }
0x10: {  	s11 =	sadd.s32 $0x3E00, s10;
	[dreg:$0xc] =	wrdreg s2  }
0x11: {  	s12 =	sadd.s32 $0x4000, s10;
	[dreg:$0xd] =	wrdreg s11  }
0x12: {  	s13 =	sadd.s32 $0x4200, s10;
	[dreg:$0xe] =	wrdreg s12  }
0x13: {  	s14 =	sadd.s32 $0x4400, s10;
	[dreg:$0xf] =	wrdreg s13  }
0x14: {  	s15 =	sadd.s32 $0x4600, s10;
	[dreg:$0x10] =	wrdreg s14  }
0x15: {  	s16 =	sadd.s32 $0x4800, s10;
	[dreg:$0x11] =	wrdreg s15  }
0x16: {  	s28 =	simm.s32 $0xE500;
	s17 =	sadd.s32 $0x4A00, s10;
	[dreg:$0x12] =	wrdreg s16  }
0x17: {  	s29 =	simm.s32 $0x8380;
	s0 =	smax.u32 s0, $0x1;
	[dreg:$0x13] =	wrdreg s17  }
0x18: {  	s30 =	simm.s32 $0xED00;
	s18 =	sadd.s32 $0x4C00, s10;
	[dreg:$0x1d] =	wrdreg s0  }
0x19: {  	s31 =	simm.s32 $0x8400;
	s19 =	sadd.s32 $0x4E00, s10;
	[dreg:$0x14] =	wrdreg s18  }
0x1a: {  	s1 =	simm.s32 $0x8480;
	s20 =	sadd.s32 $0x5000, s10;
	[dreg:$0x15] =	wrdreg s19  }
0x1b: {  	s21 =	sadd.s32 $0x5200, s10;
	s22 =	sadd.s32 $0x5400, s10;
	[dreg:$0x16] =	wrdreg s20  }
0x1c: {  	s23 =	sadd.s32 $0x5600, s10;
	s24 =	sadd.s32 $0x5800, s10;
	[dreg:$0x17] =	wrdreg s21  }
0x1d: {  	s25 =	sadd.s32 $0x5A00, s10;
	s26 =	sadd.s32 $0x5C00, s10;
	[dreg:$0x18] =	wrdreg s22  }
0x1e: {  	s14 =	simm.s32 $0x80;
	s15 =	simm.s32 $0x1;
	[dreg:$0x19] =	wrdreg s23  }
0x1f: {  	s17 =	simm.s32 $0x7500;
	s0 =	simm.s32 $0xF500;
	[dreg:$0x1a] =	wrdreg s24  }
0x20: {  	s10 =	simm.s32 $0xFD00;
	s11 =	simm.s32 $0x0;
	[dreg:$0x1b] =	wrdreg s25  }
0x21: {  	v0 =	vlaneseq.u32;
	v1 =	vimm.s32 $0x0;
	[dreg:$0x1c] =	wrdreg s26;
	s26 =	simm.s32 $0x4100;
	s23 =	simm.s32 $0x8500  }
.LBB2_1:
0x22: {  	[dreg:$0x1e] =	wrdreg s11  }
0x23: {  	s2 =	rddreg [dreg:$0x3]  }
0x24: {  	[tilespmem:s3], [sflag:$0x1] =	stream.linear.gather [hbm4b:s2+s3], $0x80, $0x38;
	[tilespmem:$0x10500] =	vst v63  }
0x25: {  	s13 =	rddreg [dreg:$0x4]  }
0x26: {  	[tilespmem:s14], [sflag:$0x1] =	stream.linear.gather [hbm4b:s13+s3], $0x80, $0x38;
	[tilespmem:$0x10500] =	vst v63  }
0x27: {  	s16 =	rddreg [dreg:$0x5];
	s18 =	simm.s32 $0x100  }
0x28: {  	[tilespmem:s18], [sflag:$0x1] =	stream.linear.gather [hbm4b:s16+s3], $0x80, $0x38;
	[tilespmem:$0x10500] =	vst v63  }
0x29: {  	s19 =	rddreg [dreg:$0x6];
	s20 =	simm.s32 $0x180  }
0x2a: {  	[tilespmem:s20], [sflag:$0x1] =	stream.linear.gather [hbm4b:s19+s3], $0x80, $0x38;
	[tilespmem:$0x10500] =	vst v63  }
0x2b: {  	s21 =	rddreg [dreg:$0x7];
	s22 =	simm.s32 $0x200  }
0x2c: {  	[tilespmem:s22], [sflag:$0x1] =	stream.linear.gather [hbm4b:s21+s3], $0x80, $0x38;
	[tilespmem:$0x10500] =	vst v63  }
0x2d: {  	s24 =	rddreg [dreg:$0x8];
	s25 =	simm.s32 $0x280  }
0x2e: {  	[tilespmem:s25], [sflag:$0x1] =	stream.linear.gather [hbm4b:s24+s3], $0x80, $0x38;
	[tilespmem:$0x10500] =	vst v63  }
0x2f: {  	s12 =	rddreg [dreg:$0x9];
	s13 =	simm.s32 $0x300  }
0x30: {  	[tilespmem:s13], [sflag:$0x1] =	stream.linear.gather [hbm4b:s12+s3], $0x80, $0x38;
	[tilespmem:$0x10500] =	vst v63  }
0x31: {  	s16 =	rddreg [dreg:$0xa];
	s18 =	simm.s32 $0x380  }
0x32: {  	[tilespmem:s18], [sflag:$0x1] =	stream.linear.gather [hbm4b:s16+s3], $0x80, $0x38;
	[tilespmem:$0x10500] =	vst v63  }
0x33: {  	s19 =	rddreg [dreg:$0xb];
	s20 =	simm.s32 $0x400  }
0x34: {  	[tilespmem:s20], [sflag:$0x1] =	stream.linear.gather [hbm4b:s19+s3], $0x80, $0x38;
	[tilespmem:$0x10500] =	vst v63  }
0x35: {  	s21 =	rddreg [dreg:$0xc];
	s22 =	simm.s32 $0x480  }
0x36: {  	[tilespmem:s22], [sflag:$0x1] =	stream.linear.gather [hbm4b:s21+s3], $0x80, $0x38;
	[tilespmem:$0x10500] =	vst v63  }
0x37: {  	s24 =	rddreg [dreg:$0xd];
	s25 =	simm.s32 $0x500  }
0x38: {  	[tilespmem:s25], [sflag:$0x1] =	stream.linear.gather [hbm4b:s24+s3], $0x80, $0x38;
	[tilespmem:$0x10500] =	vst v63  }
0x39: {  	s12 =	rddreg [dreg:$0xe];
	s13 =	simm.s32 $0x580  }
0x3a: {  	[tilespmem:s13], [sflag:$0x1] =	stream.linear.gather [hbm4b:s12+s3], $0x80, $0x38;
	[tilespmem:$0x10500] =	vst v63  }
0x3b: {  	s16 =	rddreg [dreg:$0xf];
	s18 =	simm.s32 $0x600  }
0x3c: {  	[tilespmem:s18], [sflag:$0x1] =	stream.linear.gather [hbm4b:s16+s3], $0x80, $0x38;
	[tilespmem:$0x10500] =	vst v63  }
0x3d: {  	s19 =	rddreg [dreg:$0x10];
	s20 =	simm.s32 $0x680  }
0x3e: {  	[tilespmem:s20], [sflag:$0x1] =	stream.linear.gather [hbm4b:s19+s3], $0x80, $0x38;
	[tilespmem:$0x10500] =	vst v63  }
0x3f: {  	s21 =	rddreg [dreg:$0x11];
	s22 =	simm.s32 $0x700  }
0x40: {  	[tilespmem:s22], [sflag:$0x1] =	stream.linear.gather [hbm4b:s21+s3], $0x80, $0x38;
	[tilespmem:$0x10500] =	vst v63  }
0x41: {  	s24 =	rddreg [dreg:$0x12];
	s25 =	simm.s32 $0x780  }
0x42: {  	[tilespmem:s25], [sflag:$0x1] =	stream.linear.gather [hbm4b:s24+s3], $0x80, $0x38;
	[tilespmem:$0x10500] =	vst v63  }
0x43: {  	s12 =	rddreg [dreg:$0x13];
	s13 =	simm.s32 $0x800  }
0x44: {  	[tilespmem:s13], [sflag:$0x1] =	stream.linear.gather [hbm4b:s12+s3], $0x80, $0x38;
	[tilespmem:$0x10500] =	vst v63  }
0x45: {  	s16 =	rddreg [dreg:$0x14];
	s18 =	simm.s32 $0x880  }
0x46: {  	[tilespmem:s18], [sflag:$0x1] =	stream.linear.gather [hbm4b:s16+s3], $0x80, $0x38;
	[tilespmem:$0x10500] =	vst v63  }
0x47: {  	s19 =	rddreg [dreg:$0x15];
	s20 =	simm.s32 $0x900  }
0x48: {  	[tilespmem:s20], [sflag:$0x1] =	stream.linear.gather [hbm4b:s19+s3], $0x80, $0x38;
	[tilespmem:$0x10500] =	vst v63  }
0x49: {  	s21 =	rddreg [dreg:$0x16];
	s22 =	simm.s32 $0x980  }
0x4a: {  	[tilespmem:s22], [sflag:$0x1] =	stream.linear.gather [hbm4b:s21+s3], $0x80, $0x38;
	[tilespmem:$0x10500] =	vst v63  }
0x4b: {  	s24 =	rddreg [dreg:$0x17];
	s25 =	simm.s32 $0xA00  }
0x4c: {  	[tilespmem:s25], [sflag:$0x1] =	stream.linear.gather [hbm4b:s24+s3], $0x80, $0x38;
	[tilespmem:$0x10500] =	vst v63  }
0x4d: {  	s12 =	rddreg [dreg:$0x18];
	s13 =	simm.s32 $0xA80  }
0x4e: {  	[tilespmem:s13], [sflag:$0x1] =	stream.linear.gather [hbm4b:s12+s3], $0x80, $0x38;
	[tilespmem:$0x10500] =	vst v63  }
0x4f: {  	s16 =	rddreg [dreg:$0x19];
	s18 =	simm.s32 $0xB00  }
0x50: {  	[tilespmem:s18], [sflag:$0x1] =	stream.linear.gather [hbm4b:s16+s3], $0x80, $0x38;
	[tilespmem:$0x10500] =	vst v63  }
0x51: {  	s19 =	rddreg [dreg:$0x1a];
	s20 =	simm.s32 $0xB80  }
0x52: {  	[tilespmem:s20], [sflag:$0x1] =	stream.linear.gather [hbm4b:s19+s3], $0x80, $0x38;
	[tilespmem:$0x10500] =	vst v63  }
0x53: {  	s21 =	rddreg [dreg:$0x1b];
	s22 =	simm.s32 $0xC00  }
0x54: {  	[tilespmem:s22], [sflag:$0x1] =	stream.linear.gather [hbm4b:s21+s3], $0x80, $0x38;
	[tilespmem:$0x10500] =	vst v63  }
0x55: {  	s24 =	rddreg [dreg:$0x1c];
	s25 =	simm.s32 $0xC80  }
0x56: {  	[tilespmem:s25], [sflag:$0x1] =	stream.linear.gather [hbm4b:s24+s3], $0x80, $0x38;
	[tilespmem:$0x10500] =	vst v63  }
0x57: {  	_ =	swait.ge [sflag:s15], $0x80  }
0x58: {  	[sflag:s15] =	ssyncset.done $0x0  }
0x59: {  	[sflag:s15] =	ssyncadd.s32 $0xFFFFFF80  }
0x5a: {  	_ =	swait.ge [sflag:s15], $0x80  }
0x5b: {  	[sflag:s15] =	ssyncset.done $0x0  }
0x5c: {  	[sflag:s15] =	ssyncadd.s32 $0xFFFFFF80  }
0x5d: {  	_ =	swait.ge [sflag:s15], $0x80  }
0x5e: {  	[sflag:s15] =	ssyncset.done $0x0  }
0x5f: {  	[sflag:s15] =	ssyncadd.s32 $0xFFFFFF80  }
0x60: {  	_ =	swait.ge [sflag:s15], $0x80  }
0x61: {  	[sflag:s15] =	ssyncset.done $0x0  }
0x62: {  	[sflag:s15] =	ssyncadd.s32 $0xFFFFFF80  }
0x63: {  	_ =	swait.ge [sflag:s15], $0x80  }
0x64: {  	[sflag:s15] =	ssyncset.done $0x0  }
0x65: {  	[sflag:s15] =	ssyncadd.s32 $0xFFFFFF80  }
0x66: {  	_ =	swait.ge [sflag:s15], $0x80  }
0x67: {  	[sflag:s15] =	ssyncset.done $0x0  }
0x68: {  	[sflag:s15] =	ssyncadd.s32 $0xFFFFFF80  }
0x69: {  	_ =	swait.ge [sflag:s15], $0x80  }
0x6a: {  	[sflag:s15] =	ssyncset.done $0x0  }
0x6b: {  	[sflag:s15] =	ssyncadd.s32 $0xFFFFFF80  }
0x6c: {  	_ =	swait.ge [sflag:s15], $0x80  }
0x6d: {  	[sflag:s15] =	ssyncset.done $0x0  }
0x6e: {  	[sflag:s15] =	ssyncadd.s32 $0xFFFFFF80  }
0x6f: {  	_ =	swait.ge [sflag:s15], $0x80  }
0x70: {  	[sflag:s15] =	ssyncset.done $0x0  }
0x71: {  	[sflag:s15] =	ssyncadd.s32 $0xFFFFFF80  }
0x72: {  	_ =	swait.ge [sflag:s15], $0x80  }
0x73: {  	[sflag:s15] =	ssyncset.done $0x0  }
0x74: {  	[sflag:s15] =	ssyncadd.s32 $0xFFFFFF80  }
0x75: {  	_ =	swait.ge [sflag:s15], $0x80  }
0x76: {  	[sflag:s15] =	ssyncset.done $0x0  }
0x77: {  	[sflag:s15] =	ssyncadd.s32 $0xFFFFFF80  }
0x78: {  	_ =	swait.ge [sflag:s15], $0x80  }
0x79: {  	[sflag:s15] =	ssyncset.done $0x0  }
0x7a: {  	[sflag:s15] =	ssyncadd.s32 $0xFFFFFF80  }
0x7b: {  	_ =	swait.ge [sflag:s15], $0x80  }
0x7c: {  	[sflag:s15] =	ssyncset.done $0x0  }
0x7d: {  	[sflag:s15] =	ssyncadd.s32 $0xFFFFFF80  }
0x7e: {  	_ =	swait.ge [sflag:s15], $0x80  }
0x7f: {  	[sflag:s15] =	ssyncset.done $0x0  }
0x80: {  	[sflag:s15] =	ssyncadd.s32 $0xFFFFFF80  }
0x81: {  	_ =	swait.ge [sflag:s15], $0x80  }
0x82: {  	[sflag:s15] =	ssyncset.done $0x0  }
0x83: {  	[sflag:s15] =	ssyncadd.s32 $0xFFFFFF80  }
0x84: {  	_ =	swait.ge [sflag:s15], $0x80  }
0x85: {  	[sflag:s15] =	ssyncset.done $0x0  }
0x86: {  	[sflag:s15] =	ssyncadd.s32 $0xFFFFFF80  }
0x87: {  	_ =	swait.ge [sflag:s15], $0x80  }
0x88: {  	[sflag:s15] =	ssyncset.done $0x0  }
0x89: {  	[sflag:s15] =	ssyncadd.s32 $0xFFFFFF80  }
0x8a: {  	_ =	swait.ge [sflag:s15], $0x80  }
0x8b: {  	[sflag:s15] =	ssyncset.done $0x0  }
0x8c: {  	[sflag:s15] =	ssyncadd.s32 $0xFFFFFF80  }
0x8d: {  	_ =	swait.ge [sflag:s15], $0x80  }
0x8e: {  	[sflag:s15] =	ssyncset.done $0x0  }
0x8f: {  	[sflag:s15] =	ssyncadd.s32 $0xFFFFFF80  }
0x90: {  	_ =	swait.ge [sflag:s15], $0x80  }
0x91: {  	[sflag:s15] =	ssyncset.done $0x0  }
0x92: {  	[sflag:s15] =	ssyncadd.s32 $0xFFFFFF80  }
0x93: {  	_ =	swait.ge [sflag:s15], $0x80  }
0x94: {  	[sflag:s15] =	ssyncset.done $0x0  }
0x95: {  	[sflag:s15] =	ssyncadd.s32 $0xFFFFFF80  }
0x96: {  	_ =	swait.ge [sflag:s15], $0x80  }
0x97: {  	[sflag:s15] =	ssyncset.done $0x0  }
0x98: {  	[sflag:s15] =	ssyncadd.s32 $0xFFFFFF80  }
0x99: {  	_ =	swait.ge [sflag:s15], $0x80  }
0x9a: {  	[sflag:s15] =	ssyncset.done $0x0  }
0x9b: {  	[sflag:s15] =	ssyncadd.s32 $0xFFFFFF80  }
0x9c: {  	_ =	swait.ge [sflag:s15], $0x80  }
0x9d: {  	[sflag:s15] =	ssyncset.done $0x0  }
0x9e: {  	[sflag:s15] =	ssyncadd.s32 $0xFFFFFF80  }
0x9f: {  	_ =	swait.ge [sflag:s15], $0x80  }
0xa0: {  	[sflag:s15] =	ssyncset.done $0x0  }
0xa1: {  	[sflag:s15] =	ssyncadd.s32 $0xFFFFFF80  }
0xa2: {  	_ =	swait.ge [sflag:s15], $0x80  }
0xa3: {  	[sflag:s15] =	ssyncset.done $0x0  }
0xa4: {  	s12 =	simm.s32 $0x0;
	[sflag:s15] =	ssyncadd.s32 $0xFFFFFF80  }
.LBB2_2:
0xa5: {  	s13 =	simm.s32 $0x0  }
0xa6: {  	v3 =	vor.u32 s13, v0  }
0xa7: {  	v2 =	vmulhi.u32 $0x4EC4EC4F, v3;
	_ =	sdelay $0x1  }
0xa8: {  	v2 =	vshrl.u32 v2, $0x7  }
0xa9: {  	v4 =	vmul.u32 $0x1A0, v2  }
0xaa: {  	s2 =	simm.s32 $0x10;
	v5 =	vmov s13  }
0xab: {  	s11 =	sshll.u32 s12, $0x5;
	v6 =	vor.u32 s2, v0;
	vm1 =	veq.s32 v5, v0;
	v3 =	vsub.s32 v3, v4  }
0xac: {  	v2 =	vmov s11;
	v4 =	vmulhi.u32 $0x4EC4EC4F, v5;
	vm0 =	vne.s32 v3, $0x0  }
0xad: {  	v5 =	vmulhi.u32 $0x4EC4EC4F, v6;
	v7 =	vshll.u32 v3, $0x3;
	vm0 =	vmand vm1, vm0  }
0xae: {  	v4 =	vshrl.u32 v4, $0x7;
	v7 =	vand.u32 $0xF80, v7;
	v8 =	vsel vm0, $0xFFFFFFFF, v1  }
0xaf: {  	v7 =	vadd.s32 v2, v7;
	v4 =	vadd.s32 v8, v4  }
0xb0: {  	v5 =	vshrl.u32 v5, $0x7;
	v10 =	vadd.s32 v4, v7  }
0xb1: {  	v4 =	vmul.u32 $0x1A0, v5  }
0xb2: {  	s16 =	simm.s32 $0x20  }
0xb3: {  	v7 =	vmov s2;
	v5 =	vor.u32 s16, v0;
	v4 =	vsub.s32 v6, v4  }
0xb4: {  	s19 =	simm.s32 $0x40;
	s18 =	simm.s32 $0x80;
	s21 =	simm.s32 $0xC0;
	v8 =	vmulhi.u32 $0x4EC4EC4F, v7;
	vm1 =	veq.s32 v7, v0;
	vm0 =	vne.s32 v4, $0x0  }
0xb5: {  	s20 =	simm.s32 $0x0;
	s24 =	simm.s32 $0x20;
	s22 =	simm.s32 $0x0;
	v7 =	vmulhi.u32 $0x4EC4EC4F, v5;
	v9 =	vshll.u32 v4, $0x3;
	vm0 =	vmand vm1, vm0;
	v6 =	vld.idx.msk [tilespmem:v10+s13+$0x0], $0xffff  }
.LBB2_3:
0xb6: {  	p0 =	sne.s32 s21, $0xCFC0;
	v8 =	vshrl.u32 v8, $0x7;
	v10 =	vsel vm0, $0xFFFFFFFF, v1;
	v9 =	vand.u32 $0xF80, v9  }
0xb7: {  	v8 =	vadd.s32 v10, v8;
	v9 =	vadd.s32 v2, v9  }
0xb8: {  	v7 =	vshrl.u32 v7, $0x7;
	v10 =	vadd.s32 v8, v9  }
.Ltmp0:
0xb9: {  	s25 =	sand.u32 $0xFE00, s20;
	s20 =	smov.u32 s19;
	v7 =	vmul.u32 $0x1A0, v7;
	v8 =	vmul.u32 $0x186A0, v3;
	v3 =	vmov v4;
	(pc) =	sbr.rel @p0 .LBB2_3-.Ltmp0, $4  }
0xba: {  	s24 =	sadd.s32 $0x10, s24;
	s19 =	sand.u32 $0x70, s22;
	s22 =	sshrl.u32 s25, $0x2;
	v9 =	vmov s16  }
0xbb: {  	s19 =	sor.u32 s19, s22;
	s22 =	smov.u32 s2;
	s2 =	smov.u32 s16;
	v4 =	vsub.s32 v5, v7;
	v5 =	vor.u32 s24, v0;
	v6 =	vadd.s32 v8, v6  }
0xbc: {  	s16 =	smov.u32 s24;
	vm1 =	veq.s32 v9, v0;
	v8 =	vmulhi.u32 $0x4EC4EC4F, v9;
	vm0 =	vne.s32 v4, $0x0;
	[tilespmem:s19+$0xD00] =	vst v6;
	s19 =	smov.u32 s18;
	s18 =	smov.u32 s21  }
0xbd: {  	v7 =	vmulhi.u32 $0x4EC4EC4F, v5;
	v9 =	vshll.u32 v4, $0x3;
	s21 =	sadd.s32 $0x40, s21;
	vm0 =	vmand vm1, vm0;
	v6 =	vld.idx.msk [tilespmem:v10+s13+$0x0], $0xffff  }
0xbe: {  	v8 =	vshrl.u32 v8, $0x7;
	v10 =	vsel vm0, $0xFFFFFFFF, v1;
	v9 =	vand.u32 $0xF80, v9  }
0xbf: {  	v8 =	vadd.s32 v10, v8;
	v9 =	vadd.s32 v2, v9;
	v7 =	vshrl.u32 v7, $0x7  }
0xc0: {  	v8 =	vadd.s32 v8, v9;
	v7 =	vmul.u32 $0x1A0, v7  }
0xc1: {  	v3 =	vmul.u32 $0x186A0, v3;
	s20 =	sand.u32 $0xFE00, s20;
	v60 =	vmov s16  }
0xc2: {  	s21 =	sand.u32 $0x70, s22;
	s20 =	sshrl.u32 s20, $0x2;
	v61 =	vmulhi.u32 $0x4EC4EC4F, v60;
	v5 =	vsub.s32 v5, v7  }
0xc3: {  	vm1 =	veq.s32 v60, v0;
	s20 =	sor.u32 s21, s20;
	v3 =	vadd.s32 v3, v6;
	vm15 =	vne.s32 v5, $0x0  }
0xc4: {  	[tilespmem:s20+$0xD00] =	vst v3;
	v3 =	vshll.u32 v5, $0x3;
	vm0 =	vmand vm1, vm15  }
0xc5: {  	v6 =	vshrl.u32 v61, $0x7;
	v3 =	vand.u32 $0xF80, v3;
	v62 =	vld.idx.msk [tilespmem:v8+s13+$0x0], $0xffff;
	v63 =	vsel vm0, $0xFFFFFFFF, v1  }
0xc6: {  	v2 =	vadd.s32 v2, v3;
	v6 =	vadd.s32 v63, v6  }
0xc7: {  	v2 =	vadd.s32 v6, v2  }
0xc8: {  	s19 =	sand.u32 $0xFE00, s19;
	v3 =	vmul.u32 $0x186A0, v4  }
0xc9: {  	s2 =	sand.u32 $0x70, s2;
	s19 =	sshrl.u32 s19, $0x2  }
0xca: {  	s2 =	sor.u32 s2, s19;
	v3 =	vadd.s32 v3, v62  }
0xcb: {  	[tilespmem:s2+$0xD00] =	vst v3  }
0xcc: {  	v2 =	vld.idx.msk [tilespmem:v2+s13+$0x0], $0xffff;
	_ =	sdelay $0x2  }
0xcd: {  	s24 =	sand.u32 $0xFE00, s18;
	v3 =	vmul.u32 $0x186A0, v5  }
0xce: {  	s25 =	sand.u32 $0x70, s16;
	s2 =	sshrl.u32 s24, $0x2  }
0xcf: {  	s2 =	sor.u32 s25, s2;
	v2 =	vadd.s32 v3, v2  }
0xd0: {  	s16 =	simm.s32 $0xD00;
	s13 =	simm.s32 $0x4100;
	[tilespmem:s2+$0xD00] =	vst v2;
	s2 =	simm.s32 $0x200  }
.LBB2_5:
0xd1: {  	[tilespmem:s13], [sflag:$0x1] =	stream.indirect.gather [hbm4b:s5+s14], $0x1, s16, s14, $0xb8;
	[tilespmem:$0x10500] =	vst v63  }
0xd2: {  	s13 =	smov.u32 s2;
	p0 =	sne.s32 s2, $0xCE00  }
.Ltmp1:
0xd3: {  	s2 =	sadd.s32 $0x200, s2;
	(pc) =	sbr.rel @p0 .LBB2_5-.Ltmp1, $3  }
0xd4: {  	_ =	sdelay $0x1  }
0xd5: {  	s16 =	sshra.s32 s13, $0x2  }
0xd6: {  	s13 =	sadd.s32 $0x4100, s16;
	s16 =	sadd.s32 $0xD00, s16  }
0xd7: {  	[tilespmem:s13], [sflag:$0x1] =	stream.indirect.gather [hbm4b:s5+s14], $0x1, s16, s14, $0xb8;
	[tilespmem:$0x10500] =	vst v63  }
0xd8: {  	s2 =	sadd.s32 s8, s11  }
0xd9: {  	s12 =	sadd.s32 $0x1, s12;
	_ =	swait.ge [sflag:s15], $0x3400;
	s2 =	smul.u32 $0x34, s2  }
0xda: {  	s11 =	simm.s32 $0x0;
	p0 =	sne.s32 s12, $0x4;
	[sflag:s15] =	ssyncset.done $0x0  }
.Ltmp2:
0xdb: {  	[sflag:s15] =	ssyncadd.s32 $0xFFFFCC00;
	s2 =	sadd.s32 s7, s2;
	(pc) =	sbr.rel @p0 .LBB2_2-.Ltmp2, $4  }
0xdc: {  	[hbm4b:s2+s11] =	stream.linear.scatter [tilespmem:s26], [sflag:$0x1], $0x3400, $0x38;
	[tilespmem:$0x10500] =	vst v63  }
0xdd: {  	_ =	swait.ge [sflag:s15], $0x3400  }
0xde: {  	[sflag:s15] =	ssyncset.done $0x0  }
0xdf: {  	[sflag:s15] =	ssyncadd.s32 $0xFFFFCC00  }
0xe0: {  	s12 =	simm.s32 $0x0  }
.LBB2_8:
0xe1: {  	s2 =	smul.u32 $0x190, s12;
	_ =	sdelay $0x1  }
0xe2: {  	s13 =	sadd.s32 s9, s2  }
0xe3: {  	s2 =	sshrl.u32 s13, $0x3  }
0xe4: {  	s2 =	sadd.s32 s4, s2  }
0xe5: {  	[tilespmem:s17], [sflag:$0x1] =	stream.linear.gather [hbm4b:s2+s11], $0x190, $0x38;
	[tilespmem:$0x10500] =	vst v63  }
0xe6: {  	s18 =	simm.s32 $0x7690;
	s16 =	sadd.s32 $0x6400, s2  }
0xe7: {  	[tilespmem:s18], [sflag:$0x1] =	stream.linear.gather [hbm4b:s16+s11], $0x190, $0x38;
	[tilespmem:$0x10500] =	vst v63  }
0xe8: {  	s22 =	simm.s32 $0x7820;
	s21 =	sadd.s32 $0xC800, s2  }
0xe9: {  	[tilespmem:s22], [sflag:$0x1] =	stream.linear.gather [hbm4b:s21+s11], $0x190, $0x38;
	[tilespmem:$0x10500] =	vst v63  }
0xea: {  	s25 =	simm.s32 $0x79B0;
	s24 =	sadd.s32 $0x12C00, s2  }
0xeb: {  	v2 =	vor.u32 s11, v0;
	[tilespmem:s25], [sflag:$0x1] =	stream.linear.gather [hbm4b:s24+s11], $0x190, $0x38;
	[tilespmem:$0x10500] =	vst v63  }
0xec: {  	s26 =	simm.s32 $0x7B40;
	v3 =	vmulhi.u32 $0xCCCCCCCD, v2;
	s2 =	sadd.s32 $0x19000, s2  }
0xed: {  	[tilespmem:s26], [sflag:$0x1] =	stream.linear.gather [hbm4b:s2+s11], $0x190, $0x38;
	[tilespmem:$0x10500] =	vst v63  }
0xee: {  	v3 =	vshrl.u32 v3, $0x2;
	_ =	swait.ge [sflag:s15], $0x190  }
0xef: {  	v4 =	vmul.u32 $0xFFFFFFFB, v3;
	[sflag:s15] =	ssyncset.done $0x0  }
0xf0: {  	[sflag:s15] =	ssyncadd.s32 $0xFFFFFE70  }
0xf1: {  	v5 =	vmov s11;
	v6 =	vadd.s32 v2, v4;
	s16 =	simm.s32 $0x10;
	_ =	swait.ge [sflag:s15], $0x190  }
0xf2: {  	vm0 =	veq.s32 v5, v0;
	vm1 =	vne.s32 v6, $0x0;
	v2 =	vor.u32 s16, v0;
	[sflag:s15] =	ssyncset.done $0x0  }
0xf3: {  	vm0 =	vmand vm0, vm1;
	v4 =	vmulhi.u32 $0xCCCCCCCD, v2;
	[sflag:s15] =	ssyncadd.s32 $0xFFFFFE70  }
0xf4: {  	v5 =	vsel vm0, $0xFFFFFFFF, v1;
	_ =	swait.ge [sflag:s15], $0x190  }
0xf5: {  	v3 =	vadd.s32 v5, v3;
	v4 =	vshrl.u32 v4, $0x2;
	[sflag:s15] =	ssyncset.done $0x0  }
0xf6: {  	v5 =	vmul.u32 $0x190, v6;
	vm0 =	vlt.s32 v3, $0x18F;
	v7 =	vmul.u32 $0xFFFFFFFB, v4;
	[sflag:s15] =	ssyncadd.s32 $0xFFFFFE70  }
0xf7: {  	v3 =	vnsel vm0, $0x18F, v3;
	_ =	swait.ge [sflag:s15], $0x190  }
0xf8: {  	v3 =	vadd.s32 v5, v3;
	v5 =	vmov s16;
	v2 =	vadd.s32 v2, v7;
	[sflag:s15] =	ssyncset.done $0x0  }
0xf9: {  	s2 =	simm.s32 $0x20;
	vm0 =	veq.s32 v5, v0;
	vm1 =	vne.s32 v2, $0x0;
	[sflag:s15] =	ssyncadd.s32 $0xFFFFFE70  }
0xfa: {  	v5 =	vor.u32 s2, v0;
	vm0 =	vmand vm0, vm1;
	_ =	swait.ge [sflag:s15], $0x190  }
0xfb: {  	v7 =	vmulhi.u32 $0xCCCCCCCD, v5;
	v8 =	vsel vm0, $0xFFFFFFFF, v1;
	[sflag:s15] =	ssyncset.done $0x0  }
0xfc: {  	v8 =	vadd.s32 v8, v4;
	[sflag:s15] =	ssyncadd.s32 $0xFFFFFE70  }
0xfd: {  	v4 =	vshrl.u32 v7, $0x2;
	v7 =	vmul.u32 $0x190, v2;
	vm0 =	vlt.s32 v8, $0x18F;
	v9 =	vld.idx.msk [tilespmem:v3+s17+$0x0], $0xffff  }
0xfe: {  	v8 =	vnsel vm0, $0x18F, v8;
	v3 =	vmul.u32 $0xFFFFFFFB, v4  }
0xff: {  	v10 =	vmul.u32 $0x186A0, v6;
	v6 =	vadd.s32 v7, v8  }
0x100: {  	s19 =	simm.s32 $0x80;
	s20 =	sand.u32 $0x1E00, s11;
	s18 =	simm.s32 $0x30;
	v3 =	vadd.s32 v5, v3;
	v5 =	vmov s2  }
0x101: {  	s21 =	simm.s32 $0x40;
	s24 =	sand.u32 $0x70, s11;
	s25 =	sshrl.u32 s20, $0x2;
	vm0 =	veq.s32 v5, v0;
	vm1 =	vne.s32 v3, $0x0  }
0x102: {  	s22 =	simm.s32 $0x100;
	s20 =	simm.s32 $0xC0;
	s24 =	sor.u32 s24, s25;
	v5 =	vor.u32 s18, v0;
	vm0 =	vmand vm0, vm1;
	v7 =	vadd.s32 v10, v9  }
.LBB2_9:
0x103: {  	p0 =	sne.s32 s22, $0x1FC0;
	v8 =	vmulhi.u32 $0xCCCCCCCD, v5;
	v9 =	vsel vm0, $0xFFFFFFFF, v1;
	[tilespmem:s24+$0x7D00] =	vst v7;
	s25 =	smov.u32 s2;
	s2 =	smov.u32 s18  }
0x104: {  	s24 =	smov.u32 s20;
	s20 =	smov.u32 s22;
	v7 =	vadd.s32 v9, v4;
	v9 =	vld.idx.msk [tilespmem:v6+s17+$0x0], $0xffff  }
0x105: {  	v6 =	vmul.u32 $0x190, v3;
	v4 =	vshrl.u32 v8, $0x2;
	vm0 =	vlt.s32 v7, $0x18F  }
.Ltmp3:
0x106: {  	v8 =	vmul.u32 $0xFFFFFFFB, v4;
	v7 =	vnsel vm0, $0x18F, v7;
	(pc) =	sbr.rel @p0 .LBB2_9-.Ltmp3, $4  }
0x107: {  	v6 =	vadd.s32 v6, v7  }
0x108: {  	v10 =	vmul.u32 $0x186A0, v2;
	s26 =	sand.u32 $0x1E00, s21;
	v2 =	vmovc v3;
	s21 =	smov.u32 s19;
	s19 =	smov.u32 s24;
	v7 =	vmov s18;
	v3 =	vadd.s32 v5, v8  }
0x109: {  	s16 =	sand.u32 $0x70, s16;
	s24 =	sshrl.u32 s26, $0x2;
	s18 =	sadd.s32 $0x10, s18;
	vm0 =	veq.s32 v7, v0;
	vm1 =	vne.s32 v3, $0x0  }
0x10a: {  	s22 =	sadd.s32 $0x40, s22;
	s24 =	sor.u32 s16, s24;
	s16 =	smov.u32 s25;
	v5 =	vor.u32 s18, v0;
	v7 =	vadd.s32 v10, v9;
	vm0 =	vmand vm0, vm1  }
0x10b: {  	_ = 	snop  }
0x10c: {  	v8 =	vmulhi.u32 $0xCCCCCCCD, v5  }
0x10d: {  	v9 =	vsel vm0, $0xFFFFFFFF, v1  }
0x10e: {  	[tilespmem:s24+$0x7D00] =	vst v7;
	v4 =	vadd.s32 v9, v4;
	v57 =	vshrl.u32 v8, $0x2  }
0x10f: {  	v58 =	vmul.u32 $0x190, v3;
	v6 =	vld.idx.msk [tilespmem:v6+s17+$0x0], $0xffff;
	vm13 =	vlt.s32 v4, $0x18F;
	v59 =	vmul.u32 $0xFFFFFFFB, v57  }
0x110: {  	v4 =	vnsel vm13, $0x18F, v4  }
0x111: {  	v60 =	vmov s18;
	v4 =	vadd.s32 v58, v4;
	v61 =	vadd.s32 v5, v59  }
0x112: {  	v2 =	vmul.u32 $0x186A0, v2;
	s21 =	sand.u32 $0x1E00, s21;
	vm14 =	veq.s32 v60, v0;
	vm1 =	vne.s32 v61, $0x0  }
0x113: {  	s16 =	sand.u32 $0x70, s16;
	s21 =	sshrl.u32 s21, $0x2;
	vm0 =	vmand vm14, vm1  }
0x114: {  	s16 =	sor.u32 s16, s21;
	v2 =	vadd.s32 v2, v6;
	v62 =	vsel vm0, $0xFFFFFFFF, v1  }
0x115: {  	[tilespmem:s16+$0x7D00] =	vst v2;
	v2 =	vadd.s32 v62, v57  }
0x116: {  	v63 =	vmul.u32 $0x190, v61;
	v4 =	vld.idx.msk [tilespmem:v4+s17+$0x0], $0xffff;
	vm15 =	vlt.s32 v2, $0x18F  }
0x117: {  	v2 =	vnsel vm15, $0x18F, v2  }
0x118: {  	v2 =	vadd.s32 v63, v2  }
0x119: {  	v3 =	vmul.u32 $0x186A0, v3;
	s24 =	sand.u32 $0x1E00, s19  }
0x11a: {  	s2 =	sand.u32 $0x70, s2;
	s16 =	sshrl.u32 s24, $0x2  }
0x11b: {  	s2 =	sor.u32 s2, s16;
	v3 =	vadd.s32 v3, v4  }
0x11c: {  	[tilespmem:s2+$0x7D00] =	vst v3  }
0x11d: {  	v2 =	vld.idx.msk [tilespmem:v2+s17+$0x0], $0xffff;
	_ =	sdelay $0x2  }
0x11e: {  	s25 =	sand.u32 $0x1E00, s20;
	v3 =	vmul.u32 $0x186A0, v61  }
0x11f: {  	s26 =	sand.u32 $0x70, s18;
	s2 =	sshrl.u32 s25, $0x2  }
0x120: {  	s2 =	sor.u32 s26, s2;
	v2 =	vadd.s32 v3, v2  }
0x121: {  	s16 =	simm.s32 $0x7D00;
	[tilespmem:s2+$0x7D00] =	vst v2  }
0x122: {  	[tilespmem:s23], [sflag:$0x1] =	stream.indirect.gather [hbm4b:s6+s14], $0x10, s16, s14, $0xb8;
	[tilespmem:$0x10500] =	vst v63  }
0x123: {  	s18 =	simm.s32 $0x7D80;
	s19 =	simm.s32 $0x8D00  }
0x124: {  	[tilespmem:s19], [sflag:$0x1] =	stream.indirect.gather [hbm4b:s6+s14], $0x10, s18, s14, $0xb8;
	[tilespmem:$0x10500] =	vst v63  }
0x125: {  	s20 =	simm.s32 $0x7E00;
	s21 =	simm.s32 $0x9500  }
0x126: {  	[tilespmem:s21], [sflag:$0x1] =	stream.indirect.gather [hbm4b:s6+s14], $0x10, s20, s14, $0xb8;
	[tilespmem:$0x10500] =	vst v63  }
0x127: {  	s22 =	simm.s32 $0x7E80;
	s24 =	simm.s32 $0x9D00  }
0x128: {  	[tilespmem:s24], [sflag:$0x1] =	stream.indirect.gather [hbm4b:s6+s14], $0x10, s22, s14, $0xb8;
	[tilespmem:$0x10500] =	vst v63  }
0x129: {  	s25 =	simm.s32 $0x7F00;
	s26 =	simm.s32 $0xA500  }
0x12a: {  	[tilespmem:s26], [sflag:$0x1] =	stream.indirect.gather [hbm4b:s6+s14], $0x10, s25, s14, $0xb8;
	[tilespmem:$0x10500] =	vst v63  }
0x12b: {  	s18 =	simm.s32 $0x7F80;
	s19 =	simm.s32 $0xAD00  }
0x12c: {  	[tilespmem:s19], [sflag:$0x1] =	stream.indirect.gather [hbm4b:s6+s14], $0x10, s18, s14, $0xb8;
	[tilespmem:$0x10500] =	vst v63  }
0x12d: {  	s20 =	simm.s32 $0x8000;
	s21 =	simm.s32 $0xB500  }
0x12e: {  	[tilespmem:s21], [sflag:$0x1] =	stream.indirect.gather [hbm4b:s6+s14], $0x10, s20, s14, $0xb8;
	[tilespmem:$0x10500] =	vst v63  }
0x12f: {  	s22 =	simm.s32 $0x8080;
	s24 =	simm.s32 $0xBD00  }
0x130: {  	[tilespmem:s24], [sflag:$0x1] =	stream.indirect.gather [hbm4b:s6+s14], $0x10, s22, s14, $0xb8;
	[tilespmem:$0x10500] =	vst v63  }
0x131: {  	s25 =	simm.s32 $0x8100;
	s26 =	simm.s32 $0xC500  }
0x132: {  	[tilespmem:s26], [sflag:$0x1] =	stream.indirect.gather [hbm4b:s6+s14], $0x10, s25, s14, $0xb8;
	[tilespmem:$0x10500] =	vst v63  }
0x133: {  	s16 =	simm.s32 $0x8180;
	s18 =	simm.s32 $0xCD00  }
0x134: {  	[tilespmem:s18], [sflag:$0x1] =	stream.indirect.gather [hbm4b:s6+s14], $0x10, s16, s14, $0xb8;
	[tilespmem:$0x10500] =	vst v63  }
0x135: {  	s19 =	simm.s32 $0x8200;
	s20 =	simm.s32 $0xD500  }
0x136: {  	[tilespmem:s20], [sflag:$0x1] =	stream.indirect.gather [hbm4b:s6+s14], $0x10, s19, s14, $0xb8;
	[tilespmem:$0x10500] =	vst v63  }
0x137: {  	s21 =	simm.s32 $0x8280;
	s22 =	simm.s32 $0xDD00  }
0x138: {  	[tilespmem:s22], [sflag:$0x1] =	stream.indirect.gather [hbm4b:s6+s14], $0x10, s21, s14, $0xb8;
	[tilespmem:$0x10500] =	vst v63  }
0x139: {  	s24 =	simm.s32 $0x8300  }
0x13a: {  	[tilespmem:s28], [sflag:$0x1] =	stream.indirect.gather [hbm4b:s6+s14], $0x10, s24, s14, $0xb8;
	[tilespmem:$0x10500] =	vst v63  }
0x13b: {  	_ = 	snop  }
0x13c: {  	[tilespmem:s30], [sflag:$0x1] =	stream.indirect.gather [hbm4b:s6+s14], $0x10, s29, s14, $0xb8;
	[tilespmem:$0x10500] =	vst v63  }
0x13d: {  	_ = 	snop  }
0x13e: {  	[tilespmem:s0], [sflag:$0x1] =	stream.indirect.gather [hbm4b:s6+s14], $0x10, s31, s14, $0xb8;
	[tilespmem:$0x10500] =	vst v63  }
0x13f: {  	_ = 	snop  }
0x140: {  	[tilespmem:s10], [sflag:$0x1] =	stream.indirect.gather [hbm4b:s6+s14], $0x10, s1, s14, $0xb8;
	[tilespmem:$0x10500] =	vst v63  }
0x141: {  	_ =	swait.ge [sflag:s15], $0x8000  }
0x142: {  	[sflag:s15] =	ssyncset.done $0x0  }
0x143: {  	s12 =	sadd.s32 $0x1, s12;
	s25 =	smul.u32 $0xA, s13;
	[sflag:s15] =	ssyncadd.s32 $0xFFFF8000  }
0x144: {  	p0 =	sne.s32 s12, $0x10;
	s26 =	rddreg [dreg:$0x1]  }
.Ltmp4:
0x145: {  	s2 =	sadd.s32 s26, s25;
	(pc) =	sbr.rel @p0 .LBB2_8-.Ltmp4, $4  }
0x146: {  	[hbm4b:s2+s3] =	stream.linear.scatter [tilespmem:s23], [sflag:$0x1], $0x7D00, $0x38;
	[tilespmem:$0x10500] =	vst v63  }
0x147: {  	_ =	swait.ge [sflag:s15], $0x7D00  }
0x148: {  	[sflag:s15] =	ssyncset.done $0x0  }
0x149: {  	[sflag:s15] =	ssyncadd.s32 $0xFFFF8300  }
0x14a: {  	s11 =	rddreg [dreg:$0x1e]  }
0x14b: {  	s2 =	rddreg [dreg:$0x1d];
	s11 =	sadd.s32 $0x1, s11  }
0x14c: {  	p0 =	sne.s32 s11, s2  }
.Ltmp5:
0x14d: {  	_ = 	snop;
	(pc) =	sbr.rel @p0 .LBB2_1-.Ltmp5, $2  }
0x14e: {  	_ =	sdelay $0x2  }
0x14f: {  	s26 =	simm.s32 $0x4100  }
0x150: {  	_ =	sfence.sel $0x180000  }
0x151: {  	[bflag:$0x0] =	sbarrier.arrive $0xFFFF  }
0x152: {  	_ =	strace $0x90000047  }
0x153: {  	s0 =	stileid.u32;
	[bflag:$0x2] =	sbarrier.arrive $0xFFFF  }
0x154: {  	p0 =	sne.s32 s0, $0x0;
	s0 =	rddreg [dreg:$0x2]  }
0x155: {  	s0 =	sadd.s32 @!p0 $0x100000, s0  }
0x156: {  	[sflag:s0] =	ssyncadd.tile.s32 @!p0 $0x1;
	_ =	shalt  }
.Lfunc_end2:
_tile_overlayer_lowered:
.L_overlay_start_2:
0x157: {  	(tag) =	ssettag $0x2  }
0x158: {  	s0 =	rddreg [dreg:$0x0];
	s2 =	stileid.u32  }
0x159: {  	s1 =	rddreg [dreg:$0x1];
	p0 =	sne.s32 s2, $0x0  }
0x15a: {  	s3 =	rddreg [dreg:$0x2];
	[bflag:$0x3] =	sbarrier.arrive $0xFFFF;
	s2 =	simm.s32 @!p0 $0x1C02  }
0x15b: {  	[timem:s3], [sflag:s2] =	dma.local @!p0 [hbm:s0], s1  }
0x15c: {  	s0 =	simm.s32 @!p0 $0x2  }
0x15d: {  	_ =	swait.ge @!p0 [sflag:s0], s1  }
0x15e: {  	s1 =	ssub.s32 @!p0 $0x0, s1;
	[sflag:s0] =	ssyncset.done @!p0 $0x0  }
0x15f: {  	[sflag:s0] =	ssyncadd.s32 @!p0 s1  }
0x160: {  	[bflag:$0x3] =	sbarrier.arrive $0xFFFF  }
0x161: {  	_ =	shalt  }

</sc_bundles>
